<compile_context>
chip_gen: v7x
topology: tpu7x:2x2x1
jax: 0.10.2.dev20260603
libtpu: 0.0.44.dev20260713+nightly
codegen_flags: <defaults>
</compile_context>

<pallas_src>
import functools
import jax
import jax.numpy as jnp
from jax import lax
from jax.experimental import pallas as pl
from jax.experimental.pallas import tpu as pltpu
from jax.experimental.pallas import tpu_sc as plsc

NE = 8
ALPHA = 1.702
LIMIT = 7.0
BM = 128
NB = 2048 * 2 // BM + NE
NBM = NB * BM
NW = 32
NCHUNK = 4


def _router_body(x_ref, wT_ref, b_ref, idx_ref, wts_ref):
    x = x_ref[...]
    logits = jnp.dot(x, wT_ref[...], preferred_element_type=jnp.float32)
    logits = logits + b_ref[...]
    t = logits.shape[0]
    iota = lax.broadcasted_iota(jnp.int32, (t, NE), 1)
    m1 = jnp.max(logits, axis=1, keepdims=True)
    i1 = jnp.min(jnp.where(logits == m1, iota, NE), axis=1, keepdims=True)
    masked = jnp.where(iota == i1, -jnp.inf, logits)
    m2 = jnp.max(masked, axis=1, keepdims=True)
    i2 = jnp.min(jnp.where(masked == m2, iota, NE), axis=1, keepdims=True)
    r = jnp.exp(m2 - m1)
    w1 = 1.0 / (1.0 + r)
    idx_ref[...] = jnp.concatenate([i1, i2], axis=1)
    wts_ref[...] = jnp.concatenate([w1, 1.0 - w1], axis=1)


def _gmm_body(be_ref, xg_ref, wgu_ref, wd_ref, bg_ref, bu_ref, bd_ref,
              rww_ref, o_ref):
    x = xg_ref[...].astype(jnp.bfloat16)
    gate = jnp.dot(x, wgu_ref[0, 0], preferred_element_type=jnp.float32)
    up = jnp.dot(x, wgu_ref[0, 1], preferred_element_type=jnp.float32)
    gate = jnp.minimum(gate + bg_ref[0], LIMIT)
    up = jnp.clip(up + bu_ref[0], -LIMIT, LIMIT)
    glu = gate * (1.0 / (1.0 + jnp.exp(-ALPHA * gate)))
    act = ((up + 1.0) * glu).astype(jnp.bfloat16)
    y = jnp.dot(act, wd_ref[0], preferred_element_type=jnp.float32) + bd_ref[0]
    o_ref[...] = y * rww_ref[0]


def _sc_gather_body(x_hbm, tok_hbm, out_hbm, idx_v, rows_v, s0, s1):
    wid = lax.axis_index("s") * 2 + lax.axis_index("c")
    rows = NBM // NW
    cr = rows // 2
    base = wid * rows
    pltpu.sync_copy(tok_hbm.at[pl.ds(base, rows)], idx_v)
    g0 = pltpu.async_copy(x_hbm.at[idx_v.at[pl.ds(0, cr)]],
                          rows_v.at[pl.ds(0, cr)], s0)
    g1 = pltpu.async_copy(x_hbm.at[idx_v.at[pl.ds(cr, cr)]],
                          rows_v.at[pl.ds(cr, cr)], s1)
    g0.wait()
    g1.wait()
    pltpu.sync_copy(rows_v, out_hbm.at[pl.ds(base, rows)])


def _sc_combine_body(yg_hbm, p0_hbm, p1_hbm, out_hbm, i0_v, i1_v, r0_v, r1_v,
                     sem):
    wid = lax.axis_index("s") * 2 + lax.axis_index("c")
    nt = 2048 // NW
    h = 768
    base = wid * nt
    pltpu.sync_copy(p0_hbm.at[pl.ds(base, nt)], i0_v)
    pltpu.sync_copy(p1_hbm.at[pl.ds(base, nt)], i1_v)
    pltpu.async_copy(yg_hbm.at[i0_v], r0_v, sem).wait()
    pltpu.async_copy(yg_hbm.at[i1_v], r1_v, sem).wait()

    def row(i, _):
        def chunk(j, _):
            r0_v[i, pl.ds(j * 16, 16)] = (r0_v[i, pl.ds(j * 16, 16)]
                                          + r1_v[i, pl.ds(j * 16, 16)])
            return _
        return lax.fori_loop(0, h // 16, chunk, _)

    lax.fori_loop(0, nt, row, None)
    pltpu.sync_copy(r0_v, out_hbm.at[pl.ds(base, nt)])


def kernel(hidden_states, router_weight, router_bias, gate_up_proj,
           gate_up_proj_bias, down_proj, down_proj_bias):
    b, s, h = hidden_states.shape
    t = b * s
    i_dim = down_proj.shape[1]
    x2 = hidden_states.reshape(t, h)

    top_idx, top_w = pl.pallas_call(
        _router_body,
        out_shape=(jax.ShapeDtypeStruct((t, 2), jnp.int32),
                   jax.ShapeDtypeStruct((t, 2), jnp.float32)),
        name="rt_router",
    )(x2, router_weight.T, router_bias.reshape(1, NE))

    e_flat = top_idx.reshape(-1)
    w_flat = top_w.reshape(-1)
    tok = lax.broadcasted_iota(jnp.int32, (t, 2), 0).reshape(-1)
    perm = jnp.argsort(e_flat, stable=True)
    e_sorted = e_flat[perm]
    sizes = jnp.sum((e_flat[:, None] == jnp.arange(NE)[None, :]), axis=0)
    starts = jnp.concatenate([jnp.zeros((1,), jnp.int32),
                              jnp.cumsum(sizes)[:-1].astype(jnp.int32)])
    nb_e = (sizes + BM - 1) // BM
    bounds = jnp.cumsum(nb_e)
    blk_start = bounds - nb_e
    block_expert = jnp.minimum(
        jnp.sum(jnp.arange(NB)[:, None] >= bounds[None, :], axis=1),
        NE - 1).astype(jnp.int32)
    rank = jnp.arange(2 * t, dtype=jnp.int32) - starts[e_sorted]
    pos = (blk_start[e_sorted] * BM).astype(jnp.int32) + rank
    row_token = jnp.zeros((NBM,), jnp.int32).at[pos].set(tok[perm])
    row_weight = jnp.zeros((NBM,), jnp.float32).at[pos].set(w_flat[perm])
    posj = jnp.zeros((2 * t,), jnp.int32).at[perm].set(pos).reshape(t, 2)
    p0 = posj[:, 0]
    p1 = posj[:, 1]

    mesh = plsc.VectorSubcoreMesh(core_axis_name="c", subcore_axis_name="s")
    xg = pl.kernel(
        _sc_gather_body,
        out_type=jax.ShapeDtypeStruct((NBM, h), jnp.float32),
        mesh=mesh,
        name="sc_gather_rows",
        scratch_types=[pltpu.VMEM((NBM // NW,), jnp.int32),
                       pltpu.VMEM((NBM // NW, h), jnp.float32),
                       pltpu.SemaphoreType.DMA,
                       pltpu.SemaphoreType.DMA],
    )(x2, row_token)

    wgu = jnp.transpose(gate_up_proj.astype(jnp.bfloat16)
                        .reshape(NE, h, i_dim, 2),
                        (0, 3, 1, 2))
    wd = down_proj.astype(jnp.bfloat16)
    bgu = gate_up_proj_bias.reshape(NE, 1, i_dim, 2)
    bg = bgu[..., 0]
    bu = bgu[..., 1]
    bd = down_proj_bias.reshape(NE, 1, h)
    rww = row_weight.reshape(NB, BM, 1)

    yg = pl.pallas_call(
        _gmm_body,
        grid_spec=pltpu.PrefetchScalarGridSpec(
            num_scalar_prefetch=1,
            grid=(NB,),
            in_specs=[
                pl.BlockSpec((BM, h), lambda n, be: (n, 0)),
                pl.BlockSpec((1, 2, h, i_dim), lambda n, be: (be[n], 0, 0, 0)),
                pl.BlockSpec((1, i_dim, h), lambda n, be: (be[n], 0, 0)),
                pl.BlockSpec((1, 1, i_dim), lambda n, be: (be[n], 0, 0)),
                pl.BlockSpec((1, 1, i_dim), lambda n, be: (be[n], 0, 0)),
                pl.BlockSpec((1, 1, h), lambda n, be: (be[n], 0, 0)),
                pl.BlockSpec((1, BM, 1), lambda n, be: (n, 0, 0)),
            ],
            out_specs=pl.BlockSpec((BM, h), lambda n, be: (n, 0)),
        ),
        out_shape=jax.ShapeDtypeStruct((NBM, h), jnp.float32),
        name="tc_grouped_ffn",
        compiler_params=pltpu.CompilerParams(
            dimension_semantics=("arbitrary",)),
    )(block_expert, xg, wgu, wd, bg, bu, bd, rww)

    nt = t // NW
    out = pl.kernel(
        _sc_combine_body,
        out_type=jax.ShapeDtypeStruct((t, h), jnp.float32),
        mesh=mesh,
        name="sc_combine_rows",
        scratch_types=[pltpu.VMEM((nt,), jnp.int32),
                       pltpu.VMEM((nt,), jnp.int32),
                       pltpu.VMEM((nt, h), jnp.float32),
                       pltpu.VMEM((nt, h), jnp.float32),
                       pltpu.SemaphoreType.DMA],
    )(yg, p0, p1)

    return out.reshape(b, s, h)

# --- scband reference (transcript-rebuilt; emitter-appended) ---
"""Pipeline reference for scband-grok1-decoder-layer-76381698392614 (READ-ONLY COPY).

The authoritative reference and input builder live on the scoring server;
editing this copy changes nothing except your own understanding.
"""

import jax, jax.numpy as jnp
import numpy as np

E = 8
TOP_K = 2
H = 768
I = 2048
B = 1
S = 2048
ALPHA = 1.702
LIMIT = 7.0


def setup_inputs(seed: int = 0) -> dict:
    key = jax.random.key(seed)
    k0, k1, k2, k3 = jax.random.split(key, 4)
    hidden_states = jax.random.normal(k0, (B, S, H), dtype=jnp.float32)
    router_weight = jax.random.normal(k1, (E, H), dtype=jnp.float32) * 0.02
    router_bias = jnp.zeros((E,), dtype=jnp.float32)
    gate_up_proj = jax.random.normal(k2, (E, H, 2 * I), dtype=jnp.float32) * 0.02
    gate_up_proj_bias = jnp.zeros((E, 2 * I), dtype=jnp.float32)
    down_proj = jax.random.normal(k3, (E, I, H), dtype=jnp.float32) * 0.02
    down_proj_bias = jnp.zeros((E, H), dtype=jnp.float32)
    return {
        "hidden_states": hidden_states,
        "router_weight": router_weight,
        "router_bias": router_bias,
        "gate_up_proj": gate_up_proj,
        "gate_up_proj_bias": gate_up_proj_bias,
        "down_proj": down_proj,
        "down_proj_bias": down_proj_bias,
    }


def reference(hidden_states, router_weight, router_bias, gate_up_proj,
              gate_up_proj_bias, down_proj, down_proj_bias):
    b, s, h = hidden_states.shape
    x = hidden_states.reshape(-1, h)  # [T, H]
    t = x.shape[0]
    # GrokTopKRouter: linear -> top-k -> softmax over selected -> scatter to full [T, E]
    router_logits = x @ router_weight.T + router_bias  # [T, E]
    top_vals, top_idx = jax.lax.top_k(router_logits, TOP_K)  # [T, K]
    top_w = jax.nn.softmax(top_vals, axis=-1).astype(x.dtype)
    routing_weights = jnp.zeros((t, E), dtype=x.dtype)
    routing_weights = routing_weights.at[jnp.arange(t)[:, None], top_idx].set(top_w)
    # GrokExperts inference (dense) path: replicate tokens across experts, bmm
    hs = jnp.broadcast_to(x[None, :, :], (E, t, h))  # [E, T, H]
    gate_up = jnp.einsum('eth,ehf->etf', hs, gate_up_proj) + gate_up_proj_bias[:, None, :]
    gate = gate_up[..., ::2]
    up = gate_up[..., 1::2]
    gate = jnp.minimum(gate, LIMIT)
    up = jnp.clip(up, -LIMIT, LIMIT)
    glu = gate * jax.nn.sigmoid(gate * ALPHA)
    next_states = jnp.einsum('eti,eih->eth', (up + 1.0) * glu, down_proj)
    next_states = next_states + down_proj_bias[:, None, :]
    next_states = next_states * routing_weights.T[:, :, None]  # [E, T, H]
    out = next_states.sum(axis=0).reshape(b, s, h)
    return out


if False:  # reference __main__ guard neutralized (emitter)
    inp = setup_inputs()
    o = reference(**inp)
    print(o.shape, o.dtype)

if __name__ == "__main__":
    import jax
    _d = setup_inputs()
    print(jax.jit(kernel)(*tuple(_d.values())))

</pallas_src>

<mosaic_0001>
#map = affine_map<(d0, d1) -> (0, 0)>
#map1 = affine_map<(d0, d1) -> (0)>
module attributes {stable_mosaic.version = 14 : i64} {
  func.func @sc_gather_rows(%arg0: i32, %arg1: i32, %arg2: memref<2048x768xf32, #tpu.memory_space<hbm>>, %arg3: memref<5120xi32, #tpu.memory_space<hbm>>, %arg4: memref<5120x768xf32, #tpu.memory_space<hbm>>, %arg5: memref<160xi32, #tpu.memory_space<vmem>>, %arg6: memref<160x768xf32, #tpu.memory_space<vmem>>, %arg7: memref<!tpu.dma_semaphore, #tpu.memory_space<semaphore_mem>>, %arg8: memref<!tpu.dma_semaphore, #tpu.memory_space<semaphore_mem>>) attributes {dimension_semantics = [#tpu.dimension_semantics<core_parallel>, #tpu.dimension_semantics<subcore_parallel>], iteration_bounds = array<i64: 2, 16>, scalar_prefetch = 0 : i64, scratch_operands = 4 : i64, tpu.core_type = #tpu.core_type<sc_vector_subcore>, window_params = [{transform_indices = #map}, {transform_indices = #map1}, {transform_indices = #map}]} {
    %mul3A = arith.constant 2 : i32
    %mul3A_0 = arith.muli %arg1, %mul3A : i32
    %add3A = arith.addi %mul3A_0, %arg0 : i32
    %mul3A_1 = arith.constant 160 : i32
    %mul3A_2 = arith.muli %add3A, %mul3A_1 : i32
    "tpu.region"() ({
      %run_scoped3A = tpu.sem_alloc : memref<!tpu.dma_semaphore, #tpu.memory_space<semaphore_mem>>
      %dma_start3A_33 = tpu.memref_slice %arg3[%mul3A_2] : memref<5120xi32, #tpu.memory_space<hbm>> -> memref<160xi32, #tpu.memory_space<hbm>>
      %dma_start3A_34 = tpu.memref_slice %arg3[%mul3A_2] : memref<5120xi32, #tpu.memory_space<hbm>> -> memref<160xi32, #tpu.memory_space<hbm>>
      tpu.enqueue_dma source(%dma_start3A_34 : memref<160xi32, #tpu.memory_space<hbm>>) target(%arg5 : memref<160xi32, #tpu.memory_space<vmem>>) target_semaphore(%run_scoped3A : memref<!tpu.dma_semaphore, #tpu.memory_space<semaphore_mem>>)
      %dma_wait3A_35 = tpu.memref_slice %arg3[%mul3A_2] : memref<5120xi32, #tpu.memory_space<hbm>> -> memref<160xi32, #tpu.memory_space<hbm>>
      %dma_wait3A_36 = tpu.memref_slice %arg3[%mul3A_2] : memref<5120xi32, #tpu.memory_space<hbm>> -> memref<160xi32, #tpu.memory_space<hbm>>
      tpu.wait_dma2 semaphore(%run_scoped3A : memref<!tpu.dma_semaphore, #tpu.memory_space<semaphore_mem>>) src(%dma_wait3A_36 : memref<160xi32, #tpu.memory_space<hbm>>) dst(%arg5 : memref<160xi32, #tpu.memory_space<vmem>>)
      tpu.yield
    }) : () -> ()
    %dma_start3A = arith.constant 0 : i32
    %dma_start3A_3 = arith.constant 0 : i32
    %dma_start3A_4 = tpu.memref_slice %arg6[%dma_start3A, %dma_start3A_3] : memref<160x768xf32, #tpu.memory_space<vmem>> -> memref<80x768xf32, #tpu.memory_space<vmem>>
    %dma_start3A_5 = arith.constant 0 : i32
    %dma_start3A_6 = tpu.memref_slice %arg5[%dma_start3A_5] : memref<160xi32, #tpu.memory_space<vmem>> -> memref<80xi32, #tpu.memory_space<vmem>>
    %dma_start3A_7 = arith.constant 0 : i32
    %dma_start3A_8 = arith.constant 0 : i32
    %dma_start3A_9 = tpu.memref_slice %arg2[%dma_start3A_7, %dma_start3A_8] : memref<2048x768xf32, #tpu.memory_space<hbm>> -> memref<2048x768xf32, #tpu.memory_space<hbm>>
    tpu.enqueue_indirect_dma source(%dma_start3A_9 : memref<2048x768xf32, #tpu.memory_space<hbm>>) target(%dma_start3A_4 : memref<80x768xf32, #tpu.memory_space<vmem>>) offsets(%dma_start3A_6 : memref<80xi32, #tpu.memory_space<vmem>>) semaphore(%arg7 : memref<!tpu.dma_semaphore, #tpu.memory_space<semaphore_mem>>)
    %dma_start3A_10 = arith.constant 80 : i32
    %dma_start3A_11 = arith.constant 0 : i32
    %dma_start3A_12 = tpu.memref_slice %arg6[%dma_start3A_10, %dma_start3A_11] : memref<160x768xf32, #tpu.memory_space<vmem>> -> memref<80x768xf32, #tpu.memory_space<vmem>>
    %dma_start3A_13 = arith.constant 80 : i32
    %dma_start3A_14 = tpu.memref_slice %arg5[%dma_start3A_13] : memref<160xi32, #tpu.memory_space<vmem>> -> memref<80xi32, #tpu.memory_space<vmem>>
    %dma_start3A_15 = arith.constant 0 : i32
    %dma_start3A_16 = arith.constant 0 : i32
    %dma_start3A_17 = tpu.memref_slice %arg2[%dma_start3A_15, %dma_start3A_16] : memref<2048x768xf32, #tpu.memory_space<hbm>> -> memref<2048x768xf32, #tpu.memory_space<hbm>>
    tpu.enqueue_indirect_dma source(%dma_start3A_17 : memref<2048x768xf32, #tpu.memory_space<hbm>>) target(%dma_start3A_12 : memref<80x768xf32, #tpu.memory_space<vmem>>) offsets(%dma_start3A_14 : memref<80xi32, #tpu.memory_space<vmem>>) semaphore(%arg8 : memref<!tpu.dma_semaphore, #tpu.memory_space<semaphore_mem>>)
    %dma_wait3A = arith.constant 0 : i32
    %dma_wait3A_18 = arith.constant 0 : i32
    %dma_wait3A_19 = tpu.memref_slice %arg6[%dma_wait3A, %dma_wait3A_18] : memref<160x768xf32, #tpu.memory_space<vmem>> -> memref<80x768xf32, #tpu.memory_space<vmem>>
    %dma_wait3A_20 = arith.constant 0 : i32
    %dma_wait3A_21 = tpu.memref_slice %arg5[%dma_wait3A_20] : memref<160xi32, #tpu.memory_space<vmem>> -> memref<80xi32, #tpu.memory_space<vmem>>
    %dma_wait3A_22 = arith.constant 0 : i32
    %dma_wait3A_23 = arith.constant 0 : i32
    %dma_wait3A_24 = tpu.memref_slice %arg2[%dma_wait3A_22, %dma_wait3A_23] : memref<2048x768xf32, #tpu.memory_space<hbm>> -> memref<2048x768xf32, #tpu.memory_space<hbm>>
    tpu.wait_indirect_dma semaphore(%arg7 : memref<!tpu.dma_semaphore, #tpu.memory_space<semaphore_mem>>) src(%dma_wait3A_24 : memref<2048x768xf32, #tpu.memory_space<hbm>>) dst(%dma_wait3A_19 : memref<80x768xf32, #tpu.memory_space<vmem>>)
    %dma_wait3A_25 = arith.constant 80 : i32
    %dma_wait3A_26 = arith.constant 0 : i32
    %dma_wait3A_27 = tpu.memref_slice %arg6[%dma_wait3A_25, %dma_wait3A_26] : memref<160x768xf32, #tpu.memory_space<vmem>> -> memref<80x768xf32, #tpu.memory_space<vmem>>
    %dma_wait3A_28 = arith.constant 80 : i32
    %dma_wait3A_29 = tpu.memref_slice %arg5[%dma_wait3A_28] : memref<160xi32, #tpu.memory_space<vmem>> -> memref<80xi32, #tpu.memory_space<vmem>>
    %dma_wait3A_30 = arith.constant 0 : i32
    %dma_wait3A_31 = arith.constant 0 : i32
    %dma_wait3A_32 = tpu.memref_slice %arg2[%dma_wait3A_30, %dma_wait3A_31] : memref<2048x768xf32, #tpu.memory_space<hbm>> -> memref<2048x768xf32, #tpu.memory_space<hbm>>
    tpu.wait_indirect_dma semaphore(%arg8 : memref<!tpu.dma_semaphore, #tpu.memory_space<semaphore_mem>>) src(%dma_wait3A_32 : memref<2048x768xf32, #tpu.memory_space<hbm>>) dst(%dma_wait3A_27 : memref<80x768xf32, #tpu.memory_space<vmem>>)
    "tpu.region"() ({
      %run_scoped3A = tpu.sem_alloc : memref<!tpu.dma_semaphore, #tpu.memory_space<semaphore_mem>>
      %dma_start3A_33 = arith.constant 0 : i32
      %dma_start3A_34 = tpu.memref_slice %arg4[%mul3A_2, %dma_start3A_33] : memref<5120x768xf32, #tpu.memory_space<hbm>> -> memref<160x768xf32, #tpu.memory_space<hbm>>
      %dma_start3A_35 = arith.constant 0 : i32
      %dma_start3A_36 = tpu.memref_slice %arg4[%mul3A_2, %dma_start3A_35] : memref<5120x768xf32, #tpu.memory_space<hbm>> -> memref<160x768xf32, #tpu.memory_space<hbm>>
      tpu.enqueue_dma source(%arg6 : memref<160x768xf32, #tpu.memory_space<vmem>>) target(%dma_start3A_36 : memref<160x768xf32, #tpu.memory_space<hbm>>) target_semaphore(%run_scoped3A : memref<!tpu.dma_semaphore, #tpu.memory_space<semaphore_mem>>)
      %dma_wait3A_37 = arith.constant 0 : i32
      %dma_wait3A_38 = tpu.memref_slice %arg4[%mul3A_2, %dma_wait3A_37] : memref<5120x768xf32, #tpu.memory_space<hbm>> -> memref<160x768xf32, #tpu.memory_space<hbm>>
      %dma_wait3A_39 = arith.constant 0 : i32
      %dma_wait3A_40 = tpu.memref_slice %arg4[%mul3A_2, %dma_wait3A_39] : memref<5120x768xf32, #tpu.memory_space<hbm>> -> memref<160x768xf32, #tpu.memory_space<hbm>>
      tpu.wait_dma2 semaphore(%run_scoped3A : memref<!tpu.dma_semaphore, #tpu.memory_space<semaphore_mem>>) src(%arg6 : memref<160x768xf32, #tpu.memory_space<vmem>>) dst(%dma_wait3A_40 : memref<160x768xf32, #tpu.memory_space<hbm>>)
      tpu.yield
    }) : () -> ()
    return
  }
}

#map = affine_map<(d0, d1) -> (0, 0)>
#map1 = affine_map<(d0, d1) -> (0)>
module attributes {stable_mosaic.version = 14 : i64} {
  func.func @sc_combine_rows(%arg0: i32, %arg1: i32, %arg2: memref<5120x768xf32, #tpu.memory_space<hbm>>, %arg3: memref<2048xi32, #tpu.memory_space<hbm>>, %arg4: memref<2048xi32, #tpu.memory_space<hbm>>, %arg5: memref<2048x768xf32, #tpu.memory_space<hbm>>, %arg6: memref<64xi32, #tpu.memory_space<vmem>>, %arg7: memref<64xi32, #tpu.memory_space<vmem>>, %arg8: memref<64x768xf32, #tpu.memory_space<vmem>>, %arg9: memref<64x768xf32, #tpu.memory_space<vmem>>, %arg10: memref<!tpu.dma_semaphore, #tpu.memory_space<semaphore_mem>>) attributes {dimension_semantics = [#tpu.dimension_semantics<core_parallel>, #tpu.dimension_semantics<subcore_parallel>], iteration_bounds = array<i64: 2, 16>, scalar_prefetch = 0 : i64, scratch_operands = 5 : i64, tpu.core_type = #tpu.core_type<sc_vector_subcore>, window_params = [{transform_indices = #map}, {transform_indices = #map1}, {transform_indices = #map1}, {transform_indices = #map}]} {
    %mul3A = arith.constant 2 : i32
    %mul3A_0 = arith.muli %arg1, %mul3A : i32
    %add3A = arith.addi %mul3A_0, %arg0 : i32
    %mul3A_1 = arith.constant 64 : i32
    %mul3A_2 = arith.muli %add3A, %mul3A_1 : i32
    "tpu.region"() ({
      %run_scoped3A = tpu.sem_alloc : memref<!tpu.dma_semaphore, #tpu.memory_space<semaphore_mem>>
      %dma_start3A_17 = tpu.memref_slice %arg3[%mul3A_2] : memref<2048xi32, #tpu.memory_space<hbm>> -> memref<64xi32, #tpu.memory_space<hbm>>
      %dma_start3A_18 = tpu.memref_slice %arg3[%mul3A_2] : memref<2048xi32, #tpu.memory_space<hbm>> -> memref<64xi32, #tpu.memory_space<hbm>>
      tpu.enqueue_dma source(%dma_start3A_18 : memref<64xi32, #tpu.memory_space<hbm>>) target(%arg6 : memref<64xi32, #tpu.memory_space<vmem>>) target_semaphore(%run_scoped3A : memref<!tpu.dma_semaphore, #tpu.memory_space<semaphore_mem>>)
      %dma_wait3A_19 = tpu.memref_slice %arg3[%mul3A_2] : memref<2048xi32, #tpu.memory_space<hbm>> -> memref<64xi32, #tpu.memory_space<hbm>>
      %dma_wait3A_20 = tpu.memref_slice %arg3[%mul3A_2] : memref<2048xi32, #tpu.memory_space<hbm>> -> memref<64xi32, #tpu.memory_space<hbm>>
      tpu.wait_dma2 semaphore(%run_scoped3A : memref<!tpu.dma_semaphore, #tpu.memory_space<semaphore_mem>>) src(%dma_wait3A_20 : memref<64xi32, #tpu.memory_space<hbm>>) dst(%arg6 : memref<64xi32, #tpu.memory_space<vmem>>)
      tpu.yield
    }) : () -> ()
    "tpu.region"() ({
      %run_scoped3A = tpu.sem_alloc : memref<!tpu.dma_semaphore, #tpu.memory_space<semaphore_mem>>
      %dma_start3A_17 = tpu.memref_slice %arg4[%mul3A_2] : memref<2048xi32, #tpu.memory_space<hbm>> -> memref<64xi32, #tpu.memory_space<hbm>>
      %dma_start3A_18 = tpu.memref_slice %arg4[%mul3A_2] : memref<2048xi32, #tpu.memory_space<hbm>> -> memref<64xi32, #tpu.memory_space<hbm>>
      tpu.enqueue_dma source(%dma_start3A_18 : memref<64xi32, #tpu.memory_space<hbm>>) target(%arg7 : memref<64xi32, #tpu.memory_space<vmem>>) target_semaphore(%run_scoped3A : memref<!tpu.dma_semaphore, #tpu.memory_space<semaphore_mem>>)
      %dma_wait3A_19 = tpu.memref_slice %arg4[%mul3A_2] : memref<2048xi32, #tpu.memory_space<hbm>> -> memref<64xi32, #tpu.memory_space<hbm>>
      %dma_wait3A_20 = tpu.memref_slice %arg4[%mul3A_2] : memref<2048xi32, #tpu.memory_space<hbm>> -> memref<64xi32, #tpu.memory_space<hbm>>
      tpu.wait_dma2 semaphore(%run_scoped3A : memref<!tpu.dma_semaphore, #tpu.memory_space<semaphore_mem>>) src(%dma_wait3A_20 : memref<64xi32, #tpu.memory_space<hbm>>) dst(%arg7 : memref<64xi32, #tpu.memory_space<vmem>>)
      tpu.yield
    }) : () -> ()
    %dma_start3A = arith.constant 0 : i32
    %dma_start3A_3 = arith.constant 0 : i32
    %dma_start3A_4 = tpu.memref_slice %arg2[%dma_start3A, %dma_start3A_3] : memref<5120x768xf32, #tpu.memory_space<hbm>> -> memref<5120x768xf32, #tpu.memory_space<hbm>>
    tpu.enqueue_indirect_dma source(%dma_start3A_4 : memref<5120x768xf32, #tpu.memory_space<hbm>>) target(%arg8 : memref<64x768xf32, #tpu.memory_space<vmem>>) offsets(%arg6 : memref<64xi32, #tpu.memory_space<vmem>>) semaphore(%arg10 : memref<!tpu.dma_semaphore, #tpu.memory_space<semaphore_mem>>)
    %dma_wait3A = arith.constant 0 : i32
    %dma_wait3A_5 = arith.constant 0 : i32
    %dma_wait3A_6 = tpu.memref_slice %arg2[%dma_wait3A, %dma_wait3A_5] : memref<5120x768xf32, #tpu.memory_space<hbm>> -> memref<5120x768xf32, #tpu.memory_space<hbm>>
    tpu.wait_indirect_dma semaphore(%arg10 : memref<!tpu.dma_semaphore, #tpu.memory_space<semaphore_mem>>) src(%dma_wait3A_6 : memref<5120x768xf32, #tpu.memory_space<hbm>>) dst(%arg8 : memref<64x768xf32, #tpu.memory_space<vmem>>)
    %dma_start3A_7 = arith.constant 0 : i32
    %dma_start3A_8 = arith.constant 0 : i32
    %dma_start3A_9 = tpu.memref_slice %arg2[%dma_start3A_7, %dma_start3A_8] : memref<5120x768xf32, #tpu.memory_space<hbm>> -> memref<5120x768xf32, #tpu.memory_space<hbm>>
    tpu.enqueue_indirect_dma source(%dma_start3A_9 : memref<5120x768xf32, #tpu.memory_space<hbm>>) target(%arg9 : memref<64x768xf32, #tpu.memory_space<vmem>>) offsets(%arg7 : memref<64xi32, #tpu.memory_space<vmem>>) semaphore(%arg10 : memref<!tpu.dma_semaphore, #tpu.memory_space<semaphore_mem>>)
    %dma_wait3A_10 = arith.constant 0 : i32
    %dma_wait3A_11 = arith.constant 0 : i32
    %dma_wait3A_12 = tpu.memref_slice %arg2[%dma_wait3A_10, %dma_wait3A_11] : memref<5120x768xf32, #tpu.memory_space<hbm>> -> memref<5120x768xf32, #tpu.memory_space<hbm>>
    tpu.wait_indirect_dma semaphore(%arg10 : memref<!tpu.dma_semaphore, #tpu.memory_space<semaphore_mem>>) src(%dma_wait3A_12 : memref<5120x768xf32, #tpu.memory_space<hbm>>) dst(%arg9 : memref<64x768xf32, #tpu.memory_space<vmem>>)
    %scan3A = arith.constant 0 : i32
    %scan3A_13 = arith.constant 64 : i32
    %scan3A_14 = arith.addi %scan3A, %scan3A_13 : i32
    %scan3A_15 = arith.constant 1 : i32
    scf.for %scan3A_17 = %scan3A to %scan3A_14 step %scan3A_15  : i32 {
      %scan3A_18 = arith.constant 0 : i32
      %scan3A_19 = arith.constant 48 : i32
      %scan3A_20 = arith.addi %scan3A_18, %scan3A_19 : i32
      %scan3A_21 = arith.constant 1 : i32
      scf.for %scan3A_23 = %scan3A_18 to %scan3A_20 step %scan3A_21  : i32 {
        %mul3A_24 = arith.constant 16 : i32
        %mul3A_25 = arith.muli %scan3A_23, %mul3A_24 : i32
        %get3A = arith.index_cast %scan3A_17 : i32 to index
        %get3A_26 = arith.index_cast %mul3A_25 : i32 to index
        %get3A_27 = tpu.vector_load %arg8[%get3A, %get3A_26] {strides = array<i32>} : memref<64x768xf32, #tpu.memory_space<vmem>>, vector<1x16xf32>,
        %get3A_28 = vector.shape_cast %get3A_27 : vector<1x16xf32> to vector<16xf32>
        %mul3A_29 = arith.constant 16 : i32
        %mul3A_30 = arith.muli %scan3A_23, %mul3A_29 : i32
        %get3A_31 = arith.index_cast %scan3A_17 : i32 to index
        %get3A_32 = arith.index_cast %mul3A_30 : i32 to index
        %get3A_33 = tpu.vector_load %arg9[%get3A_31, %get3A_32] {strides = array<i32>} : memref<64x768xf32, #tpu.memory_space<vmem>>, vector<1x16xf32>,
        %get3A_34 = vector.shape_cast %get3A_33 : vector<1x16xf32> to vector<16xf32>
        %add3A_35 = arith.addf %get3A_28, %get3A_34 : vector<16xf32>
        %mul3A_36 = arith.constant 16 : i32
        %mul3A_37 = arith.muli %scan3A_23, %mul3A_36 : i32
        %swap3A = arith.index_cast %scan3A_17 : i32 to index
        %swap3A_38 = arith.index_cast %mul3A_37 : i32 to index
        %swap3A_39 = tpu.vector_load %arg8[%swap3A, %swap3A_38] {strides = array<i32>} : memref<64x768xf32, #tpu.memory_space<vmem>>, vector<1x16xf32>,
        %swap3A_40 = vector.shape_cast %swap3A_39 : vector<1x16xf32> to vector<16xf32>
        %swap3A_41 = vector.shape_cast %add3A_35 : vector<16xf32> to vector<1x16xf32>
        tpu.vector_store %arg8[%swap3A, %swap3A_38], %swap3A_41 {strides = array<i32>} : memref<64x768xf32, #tpu.memory_space<vmem>>, vector<1x16xf32>,
      }
      %scan3A_22 = arith.constant 48 : i32
    }
    %scan3A_16 = arith.constant 64 : i32
    "tpu.region"() ({
      %run_scoped3A = tpu.sem_alloc : memref<!tpu.dma_semaphore, #tpu.memory_space<semaphore_mem>>
      %dma_start3A_17 = arith.constant 0 : i32
      %dma_start3A_18 = tpu.memref_slice %arg5[%mul3A_2, %dma_start3A_17] : memref<2048x768xf32, #tpu.memory_space<hbm>> -> memref<64x768xf32, #tpu.memory_space<hbm>>
      %dma_start3A_19 = arith.constant 0 : i32
      %dma_start3A_20 = tpu.memref_slice %arg5[%mul3A_2, %dma_start3A_19] : memref<2048x768xf32, #tpu.memory_space<hbm>> -> memref<64x768xf32, #tpu.memory_space<hbm>>
      tpu.enqueue_dma source(%arg8 : memref<64x768xf32, #tpu.memory_space<vmem>>) target(%dma_start3A_20 : memref<64x768xf32, #tpu.memory_space<hbm>>) target_semaphore(%run_scoped3A : memref<!tpu.dma_semaphore, #tpu.memory_space<semaphore_mem>>)
      %dma_wait3A_21 = arith.constant 0 : i32
      %dma_wait3A_22 = tpu.memref_slice %arg5[%mul3A_2, %dma_wait3A_21] : memref<2048x768xf32, #tpu.memory_space<hbm>> -> memref<64x768xf32, #tpu.memory_space<hbm>>
      %dma_wait3A_23 = arith.constant 0 : i32
      %dma_wait3A_24 = tpu.memref_slice %arg5[%mul3A_2, %dma_wait3A_23] : memref<2048x768xf32, #tpu.memory_space<hbm>> -> memref<64x768xf32, #tpu.memory_space<hbm>>
      tpu.wait_dma2 semaphore(%run_scoped3A : memref<!tpu.dma_semaphore, #tpu.memory_space<semaphore_mem>>) src(%arg8 : memref<64x768xf32, #tpu.memory_space<vmem>>) dst(%dma_wait3A_24 : memref<64x768xf32, #tpu.memory_space<hbm>>)
      tpu.yield
    }) : () -> ()
    return
  }
}

module attributes {stable_mosaic.version = 14 : i64} {
  func.func @rt_router(%arg0: memref<2048x768xf32, #tpu.memory_space<vmem>>, %arg1: memref<768x8xf32, #tpu.memory_space<vmem>>, %arg2: memref<1x8xf32, #tpu.memory_space<vmem>>, %arg3: memref<2048x2xi32, #tpu.memory_space<vmem>>, %arg4: memref<2048x2xf32, #tpu.memory_space<vmem>>) attributes {dimension_semantics = [], scalar_prefetch = 0 : i64, scratch_operands = 0 : i64, tpu.core_type = #tpu.core_type<tc>} {
    %get3A = arith.constant 0 : index
    %get3A_0 = arith.constant 0 : index
    %get3A_1 = vector.load %arg0[%get3A, %get3A_0] : memref<2048x768xf32, #tpu.memory_space<vmem>>, vector<2048x768xf32>
    %get3A_2 = arith.constant 0 : index
    %get3A_3 = arith.constant 0 : index
    %get3A_4 = vector.load %arg1[%get3A_2, %get3A_3] : memref<768x8xf32, #tpu.memory_space<vmem>>, vector<768x8xf32>
    %dot_general3A = arith.constant dense<0.000000e+00> : vector<2048x8xf32>
    %dot_general3A_5 = tpu.matmul %get3A_1, %get3A_4, %dot_general3A {dimension_numbers = #tpu.dot_dimension_numbers<[1], [0], [0], [1], [0, 0, 1, 1], [], []>, transpose_lhs_hint = false} : vector<2048x768xf32>, vector<768x8xf32>, vector<2048x8xf32> -> vector<2048x8xf32>
    %get3A_6 = arith.constant 0 : index
    %get3A_7 = arith.constant 0 : index
    %get3A_8 = vector.load %arg2[%get3A_6, %get3A_7] : memref<1x8xf32, #tpu.memory_space<vmem>>, vector<1x8xf32>
    %add3A = vector.broadcast %get3A_8 : vector<1x8xf32> to vector<2048x8xf32>
    %add3A_9 = arith.addf %dot_general3A_5, %add3A : vector<2048x8xf32>
    %iota3A = tpu.iota {dimensions = array<i32: 1>} : vector<2048x8xi32>
    %reduce_max3A = arith.constant dense<0xFF800000> : vector<2048xf32>
    %reduce_max3A_10 = vector.multi_reduction <maximumf>, %add3A_9, %reduce_max3A [1] : vector<2048x8xf32> to vector<2048xf32>
    %broadcast_in_dim3A = vector.shape_cast %reduce_max3A_10 : vector<2048xf32> to vector<2048x1xf32>
    %eq3A = vector.broadcast %broadcast_in_dim3A : vector<2048x1xf32> to vector<2048x8xf32>
    %eq3A_11 = arith.cmpf oeq, %add3A_9, %eq3A : vector<2048x8xf32>
    %jit3A = arith.constant 8 : i32
    %broadcast_in_dim3A_12 = vector.broadcast %jit3A : i32 to vector<2048x8xi32>
    %select_n3A = arith.select %eq3A_11, %iota3A, %broadcast_in_dim3A_12 : vector<2048x8xi1>, vector<2048x8xi32>
    %reduce_min3A = arith.constant dense<2147483647> : vector<2048xi32>
    %reduce_min3A_13 = vector.multi_reduction <minsi>, %select_n3A, %reduce_min3A [1] : vector<2048x8xi32> to vector<2048xi32>
    %broadcast_in_dim3A_14 = vector.shape_cast %reduce_min3A_13 : vector<2048xi32> to vector<2048x1xi32>
    %eq3A_15 = vector.broadcast %broadcast_in_dim3A_14 : vector<2048x1xi32> to vector<2048x8xi32>
    %eq3A_16 = arith.cmpi eq, %iota3A, %eq3A_15 : vector<2048x8xi32>
    %jit3A_17 = arith.constant 0xFF800000 : f32
    %broadcast_in_dim3A_18 = vector.broadcast %jit3A_17 : f32 to vector<2048x8xf32>
    %select_n3A_19 = arith.select %eq3A_16, %broadcast_in_dim3A_18, %add3A_9 : vector<2048x8xi1>, vector<2048x8xf32>
    %reduce_max3A_20 = arith.constant dense<0xFF800000> : vector<2048xf32>
    %reduce_max3A_21 = vector.multi_reduction <maximumf>, %select_n3A_19, %reduce_max3A_20 [1] : vector<2048x8xf32> to vector<2048xf32>
    %broadcast_in_dim3A_22 = vector.shape_cast %reduce_max3A_21 : vector<2048xf32> to vector<2048x1xf32>
    %eq3A_23 = vector.broadcast %broadcast_in_dim3A_22 : vector<2048x1xf32> to vector<2048x8xf32>
    %eq3A_24 = arith.cmpf oeq, %select_n3A_19, %eq3A_23 : vector<2048x8xf32>
    %jit3A_25 = arith.constant 8 : i32
    %broadcast_in_dim3A_26 = vector.broadcast %jit3A_25 : i32 to vector<2048x8xi32>
    %select_n3A_27 = arith.select %eq3A_24, %iota3A, %broadcast_in_dim3A_26 : vector<2048x8xi1>, vector<2048x8xi32>
    %reduce_min3A_28 = arith.constant dense<2147483647> : vector<2048xi32>
    %reduce_min3A_29 = vector.multi_reduction <minsi>, %select_n3A_27, %reduce_min3A_28 [1] : vector<2048x8xi32> to vector<2048xi32>
    %broadcast_in_dim3A_30 = vector.shape_cast %reduce_min3A_29 : vector<2048xi32> to vector<2048x1xi32>
    %sub3A = arith.subf %broadcast_in_dim3A_22, %broadcast_in_dim3A : vector<2048x1xf32>
    %exp3A = math.exp %sub3A : vector<2048x1xf32>
    %add3A_31 = arith.constant 1.000000e+00 : f32
    %add3A_32 = vector.broadcast %add3A_31 : f32 to vector<2048x1xf32>
    %add3A_33 = arith.addf %add3A_32, %exp3A : vector<2048x1xf32>
    %div3A = arith.constant 1.000000e+00 : f32
    %div3A_34 = vector.broadcast %div3A : f32 to vector<2048x1xf32>
    %div3A_35 = arith.divf %div3A_34, %add3A_33 : vector<2048x1xf32>
    %concatenate3A = tpu.concatenate %broadcast_in_dim3A_14, %broadcast_in_dim3A_30 in 1 : vector<2048x1xi32>, vector<2048x1xi32> -> vector<2048x2xi32>
    %swap3A = arith.constant 0 : index
    %swap3A_36 = arith.constant 0 : index
    %swap3A_37 = vector.load %arg3[%swap3A, %swap3A_36] : memref<2048x2xi32, #tpu.memory_space<vmem>>, vector<2048x2xi32>
    tpu.vector_store %arg3[%swap3A, %swap3A_36], %concatenate3A {strides = array<i32>} : memref<2048x2xi32, #tpu.memory_space<vmem>>, vector<2048x2xi32>,
    %sub3A_38 = arith.constant 1.000000e+00 : f32
    %sub3A_39 = vector.broadcast %sub3A_38 : f32 to vector<2048x1xf32>
    %sub3A_40 = arith.subf %sub3A_39, %div3A_35 : vector<2048x1xf32>
    %concatenate3A_41 = tpu.concatenate %div3A_35, %sub3A_40 in 1 : vector<2048x1xf32>, vector<2048x1xf32> -> vector<2048x2xf32>
    %swap3A_42 = arith.constant 0 : index
    %swap3A_43 = arith.constant 0 : index
    %swap3A_44 = vector.load %arg4[%swap3A_42, %swap3A_43] : memref<2048x2xf32, #tpu.memory_space<vmem>>, vector<2048x2xf32>
    tpu.vector_store %arg4[%swap3A_42, %swap3A_43], %concatenate3A_41 {strides = array<i32>} : memref<2048x2xf32, #tpu.memory_space<vmem>>, vector<2048x2xf32>,
    return
  }
}

module attributes {stable_mosaic.version = 14 : i64} {
  func.func @tc_grouped_ffn(%arg0: i32, %arg1: memref<40xi32, #tpu.memory_space<smem>>, %arg2: memref<128x768xf32, #tpu.memory_space<vmem>>, %arg3: memref<1x2x768x2048xbf16, #tpu.memory_space<vmem>>, %arg4: memref<1x2048x768xbf16, #tpu.memory_space<vmem>>, %arg5: memref<1x1x2048xf32, #tpu.memory_space<vmem>>, %arg6: memref<1x1x2048xf32, #tpu.memory_space<vmem>>, %arg7: memref<1x1x768xf32, #tpu.memory_space<vmem>>, %arg8: memref<1x128x1xf32, #tpu.memory_space<vmem>>, %arg9: memref<128x768xf32, #tpu.memory_space<vmem>>) attributes {dimension_semantics = [#tpu.dimension_semantics<arbitrary>], iteration_bounds = array<i64: 40>, scalar_prefetch = 1 : i64, scratch_operands = 0 : i64, tpu.core_type = #tpu.core_type<tc>, window_params = [{transform_indices = @transform_0, window_bounds = array<i64: 128, 768>}, {transform_indices = @transform_1, window_bounds = array<i64: 1, 2, 768, 2048>}, {transform_indices = @transform_2, window_bounds = array<i64: 1, 2048, 768>}, {transform_indices = @transform_3, window_bounds = array<i64: 1, 1, 2048>}, {transform_indices = @transform_4, window_bounds = array<i64: 1, 1, 2048>}, {transform_indices = @transform_5, window_bounds = array<i64: 1, 1, 768>}, {transform_indices = @transform_6, window_bounds = array<i64: 1, 128, 1>}, {transform_indices = @transform_7, window_bounds = array<i64: 128, 768>}]} {
    %get3A = arith.constant 0 : index
    %get3A_0 = arith.constant 0 : index
    %get3A_1 = vector.load %arg2[%get3A, %get3A_0] : memref<128x768xf32, #tpu.memory_space<vmem>>, vector<128x768xf32>
    %convert_element_type3A = arith.truncf %get3A_1 : vector<128x768xf32> to vector<128x768xbf16>
    %get3A_2 = arith.constant 0 : index
    %get3A_3 = arith.constant 0 : index
    %get3A_4 = arith.constant 0 : index
    %get3A_5 = arith.constant 0 : index
    %get3A_6 = vector.load %arg3[%get3A_2, %get3A_3, %get3A_4, %get3A_5] : memref<1x2x768x2048xbf16, #tpu.memory_space<vmem>>, vector<1x1x768x2048xbf16>
    %get3A_7 = vector.shape_cast %get3A_6 : vector<1x1x768x2048xbf16> to vector<768x2048xbf16>
    %dot_general3A = arith.constant dense<0.000000e+00> : vector<128x2048xf32>
    %dot_general3A_8 = tpu.matmul %convert_element_type3A, %get3A_7, %dot_general3A {dimension_numbers = #tpu.dot_dimension_numbers<[1], [0], [0], [1], [0, 0, 1, 1], [], []>, transpose_lhs_hint = false} : vector<128x768xbf16>, vector<768x2048xbf16>, vector<128x2048xf32> -> vector<128x2048xf32>
    %get3A_9 = arith.constant 0 : index
    %get3A_10 = arith.constant 1 : index
    %get3A_11 = arith.constant 0 : index
    %get3A_12 = arith.constant 0 : index
    %get3A_13 = vector.load %arg3[%get3A_9, %get3A_10, %get3A_11, %get3A_12] : memref<1x2x768x2048xbf16, #tpu.memory_space<vmem>>, vector<1x1x768x2048xbf16>
    %get3A_14 = vector.shape_cast %get3A_13 : vector<1x1x768x2048xbf16> to vector<768x2048xbf16>
    %dot_general3A_15 = arith.constant dense<0.000000e+00> : vector<128x2048xf32>
    %dot_general3A_16 = tpu.matmul %convert_element_type3A, %get3A_14, %dot_general3A_15 {dimension_numbers = #tpu.dot_dimension_numbers<[1], [0], [0], [1], [0, 0, 1, 1], [], []>, transpose_lhs_hint = false} : vector<128x768xbf16>, vector<768x2048xbf16>, vector<128x2048xf32> -> vector<128x2048xf32>
    %get3A_17 = arith.constant 0 : index
    %get3A_18 = arith.constant 0 : index
    %get3A_19 = arith.constant 0 : index
    %get3A_20 = vector.load %arg5[%get3A_17, %get3A_18, %get3A_19] : memref<1x1x2048xf32, #tpu.memory_space<vmem>>, vector<1x1x2048xf32>
    %get3A_21 = vector.shape_cast %get3A_20 : vector<1x1x2048xf32> to vector<1x2048xf32>
    %add3A = vector.broadcast %get3A_21 : vector<1x2048xf32> to vector<128x2048xf32>
    %add3A_22 = arith.addf %dot_general3A_8, %add3A : vector<128x2048xf32>
    %min3A = arith.constant 7.000000e+00 : f32
    %min3A_23 = vector.broadcast %min3A : f32 to vector<128x2048xf32>
    %min3A_24 = arith.minimumf %add3A_22, %min3A_23 : vector<128x2048xf32>
    %get3A_25 = arith.constant 0 : index
    %get3A_26 = arith.constant 0 : index
    %get3A_27 = arith.constant 0 : index
    %get3A_28 = vector.load %arg6[%get3A_25, %get3A_26, %get3A_27] : memref<1x1x2048xf32, #tpu.memory_space<vmem>>, vector<1x1x2048xf32>
    %get3A_29 = vector.shape_cast %get3A_28 : vector<1x1x2048xf32> to vector<1x2048xf32>
    %add3A_30 = vector.broadcast %get3A_29 : vector<1x2048xf32> to vector<128x2048xf32>
    %add3A_31 = arith.addf %dot_general3A_16, %add3A_30 : vector<128x2048xf32>
    %jit3A = arith.constant -7.000000e+00 : f32
    %jit3A_32 = arith.constant 7.000000e+00 : f32
    %max3A = vector.broadcast %jit3A : f32 to vector<128x2048xf32>
    %max3A_33 = arith.maximumf %max3A, %add3A_31 : vector<128x2048xf32>
    %min3A_34 = vector.broadcast %jit3A_32 : f32 to vector<128x2048xf32>
    %min3A_35 = arith.minimumf %min3A_34, %max3A_33 : vector<128x2048xf32>
    %mul3A = arith.constant -1.702000e+00 : f32
    %mul3A_36 = vector.broadcast %mul3A : f32 to vector<128x2048xf32>
    %mul3A_37 = arith.mulf %mul3A_36, %min3A_24 : vector<128x2048xf32>
    %exp3A = math.exp %mul3A_37 : vector<128x2048xf32>
    %add3A_38 = arith.constant 1.000000e+00 : f32
    %add3A_39 = vector.broadcast %add3A_38 : f32 to vector<128x2048xf32>
    %add3A_40 = arith.addf %add3A_39, %exp3A : vector<128x2048xf32>
    %div3A = arith.constant 1.000000e+00 : f32
    %div3A_41 = vector.broadcast %div3A : f32 to vector<128x2048xf32>
    %div3A_42 = arith.divf %div3A_41, %add3A_40 : vector<128x2048xf32>
    %mul3A_43 = arith.mulf %min3A_24, %div3A_42 : vector<128x2048xf32>
    %add3A_44 = arith.constant 1.000000e+00 : f32
    %add3A_45 = vector.broadcast %add3A_44 : f32 to vector<128x2048xf32>
    %add3A_46 = arith.addf %min3A_35, %add3A_45 : vector<128x2048xf32>
    %mul3A_47 = arith.mulf %add3A_46, %mul3A_43 : vector<128x2048xf32>
    %convert_element_type3A_48 = arith.truncf %mul3A_47 : vector<128x2048xf32> to vector<128x2048xbf16>
    %get3A_49 = arith.constant 0 : index
    %get3A_50 = arith.constant 0 : index
    %get3A_51 = arith.constant 0 : index
    %get3A_52 = vector.load %arg4[%get3A_49, %get3A_50, %get3A_51] : memref<1x2048x768xbf16, #tpu.memory_space<vmem>>, vector<1x2048x768xbf16>
    %get3A_53 = vector.shape_cast %get3A_52 : vector<1x2048x768xbf16> to vector<2048x768xbf16>
    %dot_general3A_54 = arith.constant dense<0.000000e+00> : vector<128x768xf32>
    %dot_general3A_55 = tpu.matmul %convert_element_type3A_48, %get3A_53, %dot_general3A_54 {dimension_numbers = #tpu.dot_dimension_numbers<[1], [0], [0], [1], [0, 0, 1, 1], [], []>, transpose_lhs_hint = false} : vector<128x2048xbf16>, vector<2048x768xbf16>, vector<128x768xf32> -> vector<128x768xf32>
    %get3A_56 = arith.constant 0 : index
    %get3A_57 = arith.constant 0 : index
    %get3A_58 = arith.constant 0 : index
    %get3A_59 = vector.load %arg7[%get3A_56, %get3A_57, %get3A_58] : memref<1x1x768xf32, #tpu.memory_space<vmem>>, vector<1x1x768xf32>
    %get3A_60 = vector.shape_cast %get3A_59 : vector<1x1x768xf32> to vector<1x768xf32>
    %add3A_61 = vector.broadcast %get3A_60 : vector<1x768xf32> to vector<128x768xf32>
    %add3A_62 = arith.addf %dot_general3A_55, %add3A_61 : vector<128x768xf32>
    %get3A_63 = arith.constant 0 : index
    %get3A_64 = arith.constant 0 : index
    %get3A_65 = arith.constant 0 : index
    %get3A_66 = vector.load %arg8[%get3A_63, %get3A_64, %get3A_65] : memref<1x128x1xf32, #tpu.memory_space<vmem>>, vector<1x128x1xf32>
    %get3A_67 = vector.shape_cast %get3A_66 : vector<1x128x1xf32> to vector<128x1xf32>
    %mul3A_68 = vector.broadcast %get3A_67 : vector<128x1xf32> to vector<128x768xf32>
    %mul3A_69 = arith.mulf %add3A_62, %mul3A_68 : vector<128x768xf32>
    %swap3A = arith.constant 0 : index
    %swap3A_70 = arith.constant 0 : index
    %swap3A_71 = vector.load %arg9[%swap3A, %swap3A_70] : memref<128x768xf32, #tpu.memory_space<vmem>>, vector<128x768xf32>
    tpu.vector_store %arg9[%swap3A, %swap3A_70], %mul3A_69 {strides = array<i32>} : memref<128x768xf32, #tpu.memory_space<vmem>>, vector<128x768xf32>,
    return
  }
  func.func @transform_0(%arg0: i32, %arg1: memref<40xi32, #tpu.memory_space<smem>>) -> (i32, i32) {
    %c0_i32 = arith.constant 0 : i32
    %c0_i32_0 = arith.constant 0 : i32
    return %arg0, %c0_i32 : i32, i32
  }
  func.func @transform_1(%arg0: i32, %arg1: memref<40xi32, #tpu.memory_space<smem>>) -> (i32, i32, i32, i32) {
    %get3A = arith.index_cast %arg0 : i32 to index
    %get3A_0 = memref.load %arg1[%get3A] : memref<40xi32, #tpu.memory_space<smem>>
    %c0_i32 = arith.constant 0 : i32
    %c0_i32_1 = arith.constant 0 : i32
    %c0_i32_2 = arith.constant 0 : i32
    %c0_i32_3 = arith.constant 0 : i32
    return %get3A_0, %c0_i32, %c0_i32_1, %c0_i32_2 : i32, i32, i32, i32
  }
  func.func @transform_2(%arg0: i32, %arg1: memref<40xi32, #tpu.memory_space<smem>>) -> (i32, i32, i32) {
    %get3A = arith.index_cast %arg0 : i32 to index
    %get3A_0 = memref.load %arg1[%get3A] : memref<40xi32, #tpu.memory_space<smem>>
    %c0_i32 = arith.constant 0 : i32
    %c0_i32_1 = arith.constant 0 : i32
    %c0_i32_2 = arith.constant 0 : i32
    return %get3A_0, %c0_i32, %c0_i32_1 : i32, i32, i32
  }
  func.func @transform_3(%arg0: i32, %arg1: memref<40xi32, #tpu.memory_space<smem>>) -> (i32, i32, i32) {
    %get3A = arith.index_cast %arg0 : i32 to index
    %get3A_0 = memref.load %arg1[%get3A] : memref<40xi32, #tpu.memory_space<smem>>
    %c0_i32 = arith.constant 0 : i32
    %c0_i32_1 = arith.constant 0 : i32
    %c0_i32_2 = arith.constant 0 : i32
    return %get3A_0, %c0_i32, %c0_i32_1 : i32, i32, i32
  }
  func.func @transform_4(%arg0: i32, %arg1: memref<40xi32, #tpu.memory_space<smem>>) -> (i32, i32, i32) {
    %get3A = arith.index_cast %arg0 : i32 to index
    %get3A_0 = memref.load %arg1[%get3A] : memref<40xi32, #tpu.memory_space<smem>>
    %c0_i32 = arith.constant 0 : i32
    %c0_i32_1 = arith.constant 0 : i32
    %c0_i32_2 = arith.constant 0 : i32
    return %get3A_0, %c0_i32, %c0_i32_1 : i32, i32, i32
  }
  func.func @transform_5(%arg0: i32, %arg1: memref<40xi32, #tpu.memory_space<smem>>) -> (i32, i32, i32) {
    %get3A = arith.index_cast %arg0 : i32 to index
    %get3A_0 = memref.load %arg1[%get3A] : memref<40xi32, #tpu.memory_space<smem>>
    %c0_i32 = arith.constant 0 : i32
    %c0_i32_1 = arith.constant 0 : i32
    %c0_i32_2 = arith.constant 0 : i32
    return %get3A_0, %c0_i32, %c0_i32_1 : i32, i32, i32
  }
  func.func @transform_6(%arg0: i32, %arg1: memref<40xi32, #tpu.memory_space<smem>>) -> (i32, i32, i32) {
    %c0_i32 = arith.constant 0 : i32
    %c0_i32_0 = arith.constant 0 : i32
    %c0_i32_1 = arith.constant 0 : i32
    return %arg0, %c0_i32, %c0_i32_0 : i32, i32, i32
  }
  func.func @transform_7(%arg0: i32, %arg1: memref<40xi32, #tpu.memory_space<smem>>) -> (i32, i32) {
    %c0_i32 = arith.constant 0 : i32
    %c0_i32_0 = arith.constant 0 : i32
    return %arg0, %c0_i32 : i32, i32
  }
}

</mosaic_0001>

<sc_bundles>
// kernel: gather_offload_async_start.1
scs
__scs_entry_jumppad:
0x0: {  	(pc) =	sbr.rel $0x88, $3  }
0x1: {  	(tag) =	ssettag $0x0;
	lr =	simm.s32 $0x1  }
0x2: {  	[smem:$0x3F9A] =	sst lr;
	_ =	strace $0xD0000000  }
0x3: {  	_ = 	snop  }
0x4: {  	_ = 	snop  }
0x5: {  	_ = 	snop  }
0x6: {  	_ = 	snop  }
0x7: {  	_ = 	snop  }
__scs_overlays_trampoline_lowered:
0x8: {  	[smem:$0x3FA9] =	sst s0  }
0x9: {  	[smem:$0x3FAA] =	sst s1  }
0xa: {  	[smem:$0x3FAB] =	sst s2  }
0xb: {  	[smem:$0x3FAC] =	sst s3  }
0xc: {  	[smem:$0x3FAD] =	sst s4  }
0xd: {  	[smem:$0x3FAE] =	sst s5  }
0xe: {  	[smem:$0x3FAF] =	sst s6  }
0xf: {  	[smem:$0x3FB0] =	sst s7  }
0x10: {  	[smem:$0x3FB1] =	sst s8  }
0x11: {  	[smem:$0x3FB2] =	sst s9;
	s0 =	simm.s32 @!p0 $0x0  }
0x12: {  	s1 =	sld [smem:$0x3F98];
	s0 =	simm.s32 @p0 $0x1  }
0x13: {  	[smem:$0x3FB3] =	sst s0;
	s0 =	simm.s32 @!p1 $0x0  }
0x14: {  	s2 =	sld [smem:$0x3F97];
	s0 =	simm.s32 @p1 $0x1  }
0x15: {  	[smem:$0x3FB4] =	sst s0;
	s0 =	simm.s32 @!p2 $0x0  }
0x16: {  	s3 =	sld [smem:$0x3FDB];
	s0 =	simm.s32 @p2 $0x1  }
0x17: {  	s4 =	simm.s32 $0x1BF5;
	[smem:$0x3FB6] =	sst s0  }
0x18: {  	s0 =	sld [smem:$0x3F99];
	_ =	swait.ge [sflag:s4], $0x0  }
0x19: {  	s7 =	sld [smem:$0x3F9A]  }
0x1a: {  	s8 =	sadd.s32 $0xFFFFE003, lr  }
0x1b: {  	s9 =	sadd.s32 $0xFFFFFEF7, lr;
	s5 =	simm.s32 $0xFFFFFFFF;
	p2 =	slt.u32 s8, $0xFFFFF086  }
0x1c: {  	p1 =	slt.u32 s9, $0xF7A;
	s5 =	simm.s32 @!p2 $0x0  }
0x1d: {  	s5 =	simm.s32 @p1 $0x1;
	p0 =	seq.s32 s7, s2  }
0x1e: {  	s7 =	smul.u32 @!p0 $0xF7A, s2;
	p2 =	seq.s32 @!p0 s5, $0x0  }
0x1f: {  	s9 =	smul.u32 $0xF7A, s1;
	s8 =	simm.s32 @!p0 $0x1BF5;
	p2 =	por !p2, p0  }
0x20: {  	[sflag:s8] =	ssyncset.s32 @!p0 $0xFFFFF086;
	s6 =	sadd.s32 @!p0 s3, s7;
	s7 =	simm.s32 @!p0 $0x108  }
0x21: {  	s3 =	sadd.s32 s3, s9;
	s6 =	sadd.s32 @!p0 $0x88, s6;
	s7 =	simm.s32 @p2 $0x1082  }
0x22: {  	[simem:s7], [sflag:s8] =	dma.local @!p0 [hbm:s6], $0xF7A  }
0x23: {  	s9 =	sor.u32 $0xD0000000, s2;
	s6 =	simm.s32 $0x108;
	_ =	swait.ge @!p0 [sflag:s8], $0x0  }
0x24: {  	s3 =	sadd.s32 $0x88, s3;
	s6 =	simm.s32 @!p1 $0x1082;
	[sflag:s4] =	ssyncset.s32 $0xFFFFF086  }
0x25: {  	[simem:s6], [sflag:s4] =	dma.local [hbm:s3], $0xF7A  }
0x26: {  	[smem:$0x3F9A] =	sst s1;
	(tag) =	ssettag s2;
	_ =	strace s9  }
0x27: {  	s1 =	sld [smem:$0x3FAA]  }
0x28: {  	s2 =	sld [smem:$0x3FAB]  }
0x29: {  	s4 =	sld [smem:$0x3FAD]  }
0x2a: {  	p0 =	seq.s32 s5, $0x0;
	s5 =	sld [smem:$0x3FAE]  }
0x2b: {  	s6 =	sld [smem:$0x3FAF]  }
0x2c: {  	s7 =	sld [smem:$0x3FB0]  }
0x2d: {  	s3 =	simm.s32 $0x108;
	s8 =	sld [smem:$0x3FB1]  }
0x2e: {  	s3 =	simm.s32 @!p0 $0x1082;
	s9 =	sld [smem:$0x3FB2]  }
0x2f: {  	lr =	sadd.s32 s0, s3;
	s0 =	sld [smem:$0x3FA9]  }
0x30: {  	s3 =	sld [smem:$0x3FAC]  }
0x31: {  	[smem:$0x3FB5] =	sst s10  }
0x32: {  	s10 =	sld [smem:$0x3FB3];
	_ =	sdelay $0x3  }
0x33: {  	p0 =	seq.s32 s10, $0x1;
	s10 =	sld [smem:$0x3FB5];
	_ =	sdelay $0x3  }
0x34: {  	[smem:$0x3FB5] =	sst s10  }
0x35: {  	s10 =	sld [smem:$0x3FB4];
	_ =	sdelay $0x3  }
0x36: {  	p1 =	seq.s32 s10, $0x1;
	s10 =	sld [smem:$0x3FB5];
	_ =	sdelay $0x3  }
0x37: {  	[smem:$0x3FB5] =	sst s10  }
0x38: {  	s10 =	sld [smem:$0x3FB6]  }
0x39: {  	_ = 	snop;
	(pc) =	sbr.ind lr, $3  }
0x3a: {  	_ = 	snop  }
0x3b: {  	_ = 	snop  }
0x3c: {  	p2 =	seq.s32 s10, $0x1;
	s10 =	sld [smem:$0x3FB5]  }
0x3d: {  	_ =	shalt  }
0x3e: {  	_ =	shalt  }
0x3f: {  	_ =	shalt  }
0x40: {  	_ =	shalt  }
0x41: {  	_ =	shalt  }
0x42: {  	_ =	shalt  }
0x43: {  	_ =	shalt  }
0x44: {  	_ =	shalt  }
0x45: {  	_ =	shalt  }
0x46: {  	_ =	shalt  }
0x47: {  	_ =	shalt  }
0x48: {  	_ =	shalt  }
0x49: {  	_ =	shalt  }
0x4a: {  	_ =	shalt  }
0x4b: {  	_ =	shalt  }
0x4c: {  	_ =	shalt  }
0x4d: {  	_ =	shalt  }
0x4e: {  	_ =	shalt  }
0x4f: {  	_ =	shalt  }
0x50: {  	_ =	shalt  }
0x51: {  	_ =	shalt  }
0x52: {  	_ =	shalt  }
0x53: {  	_ =	shalt  }
0x54: {  	_ =	shalt  }
0x55: {  	_ =	shalt  }
0x56: {  	_ =	shalt  }
0x57: {  	_ =	shalt  }
0x58: {  	_ =	shalt  }
0x59: {  	_ =	shalt  }
0x5a: {  	_ =	shalt  }
0x5b: {  	_ =	shalt  }
0x5c: {  	_ =	shalt  }
0x5d: {  	_ =	shalt  }
0x5e: {  	_ =	shalt  }
0x5f: {  	_ =	shalt  }
0x60: {  	_ =	shalt  }
0x61: {  	_ =	shalt  }
0x62: {  	_ =	shalt  }
0x63: {  	_ =	shalt  }
0x64: {  	_ =	shalt  }
0x65: {  	_ =	shalt  }
0x66: {  	_ =	shalt  }
0x67: {  	_ =	shalt  }
0x68: {  	_ =	shalt  }
0x69: {  	_ =	shalt  }
0x6a: {  	_ =	shalt  }
0x6b: {  	_ =	shalt  }
0x6c: {  	_ =	shalt  }
0x6d: {  	_ =	shalt  }
0x6e: {  	_ =	shalt  }
0x6f: {  	_ =	shalt  }
0x70: {  	_ =	shalt  }
0x71: {  	_ =	shalt  }
0x72: {  	_ =	shalt  }
0x73: {  	_ =	shalt  }
0x74: {  	_ =	shalt  }
0x75: {  	_ =	shalt  }
0x76: {  	_ =	shalt  }
0x77: {  	_ =	shalt  }
0x78: {  	_ =	shalt  }
0x79: {  	_ =	shalt  }
0x7a: {  	_ =	shalt  }
0x7b: {  	_ =	shalt  }
0x7c: {  	_ =	shalt  }
0x7d: {  	_ =	shalt  }
0x7e: {  	_ =	shalt  }
0x7f: {  	_ =	shalt  }
0x80: {  	_ =	shalt  }
0x81: {  	_ =	shalt  }
0x82: {  	_ =	shalt  }
0x83: {  	_ =	shalt  }
0x84: {  	_ =	shalt  }
0x85: {  	_ =	shalt  }
0x86: {  	_ =	shalt  }
0x87: {  	_ =	shalt  }
.Lfunc_end0:
.L_simem_size_0:
called_computation.2_lowered:
.L_overlay_start_0:
0x88: {  	s2 =	sld [smem:$0x3FD9]  }
0x89: {  	s3 =	sld [smem:$0x3FFE];
	_ =	sdelay $0x1  }
0x8a: {  	s1 =	srdreg.scid  }
0x8b: {  	s0 =	sand.u32 $0x1, s1  }
0x8c: {  	s17 =	sshll.u32 s0, $0xA;
	s2 =	sadd.s32 s3, s2  }
0x8d: {  	s2 =	sadd.s32 s2, s17  }
0x8e: {  	[smem:$0x3FC1] =	sst s2  }
0x8f: {  	_ = 	snop  }
0x90: {  	(tm) =	ssettm $0x1  }
0x91: {  	s18 =	sld [smem:$0x3FFB];
	_ =	sdelay $0x3  }
0x92: {  	_ =	strace s18  }
0x93: {  	s2 =	sld [smem:$0x3FFC];
	_ =	sdelay $0x3  }
0x94: {  	_ =	strace s2  }
0x95: {  	s2 =	sld [smem:$0x3FFD];
	_ =	sdelay $0x3  }
0x96: {  	_ =	strace s2  }
0x97: {  	_ =	strace $0x8FFFFFFF  }
0x98: {  	s19 =	sld [smem:$0x3FDB];
	_ =	sdelay $0x1  }
0x99: {  	s20 =	simm.s32 $_scs_section_size  }
0x9a: {  	s4 =	simm.s32 $_size__tile_overlayer_lowered;
	s5 =	simm.s32 $_tile_overlayer_lowered  }
0x9b: {  	s6 =	simm.s32 $0x1BFF;
	s21 =	sshll.u32 s5, $0x1;
	s3 =	sadd.s32 s20, s19  }
0x9c: {  	s22 =	simm.s32 $0x0;
	s4 =	sshll.u32 s4, $0x1;
	s5 =	sadd.s32 s21, s3  }
0x9d: {  	[timem:s22], [sflag:s6] =	dma.local [hbm:s5], s4  }
0x9e: {  	_ =	swait.ge [sflag:s6], s4  }
0x9f: {  	s4 =	ssub.s32 $0x0, s4;
	[sflag:s6] =	ssyncset.done $0x0  }
0xa0: {  	[sflag:s6] =	ssyncadd.s32 s4;
	_ =	sdelay $0x1  }
0xa1: {  	s23 =	simm.s32 $0x1B8B  }
0xa2: {  	_ =	swait.ge [sflag:s23], $0x1  }
0xa3: {  	[sflag:s23] =	ssyncset.done $0x0  }
0xa4: {  	[sflag:s23] =	ssyncadd.s32 $0xFFFFFFFF  }
0xa5: {  	s4 =	sld [smem:$0x0]  }
0xa6: {  	s5 =	sand.u32 $0xFFFFFFFE, s1  }
0xa7: {  	p0 =	sne.s32 s1, s5  }
0xa8: {  	s5 =	sshll.u32 @p0 s5, $0xE  }
0xa9: {  	s5 =	sadd.s32 @p0 $0x11B8D, s5;
	s6 =	sshll.u32 @p0 s4, $0x11  }
0xaa: {  	s5 =	sor.u32 @p0 s6, s5  }
0xab: {  	[sflag:s5] =	ssyncadd.remote.s32 @p0 $0x1;
	_ =	sdelay $0x1  }
0xac: {  	s5 =	simm.s32 @p0 $0x1B8D  }
0xad: {  	_ =	swait.eq @p0 [sflag:s5], $0x1  }
0xae: {  	[sflag:s5] =	ssyncadd.s32 @p0 $0xFFFFFFFF  }
0xaf: {  	s6 =	sshll.u32 @!p0 s1, $0xE  }
0xb0: {  	s6 =	sor.u32 @!p0 $0x4000, s6;
	s5 =	simm.s32 @!p0 $0x1B8D  }
0xb1: {  	s4 =	sshll.u32 @!p0 s4, $0x11;
	s6 =	sadd.s32 @!p0 $0x11B8D, s6;
	_ =	swait.eq @!p0 [sflag:s5], $0x1  }
0xb2: {  	s4 =	sor.u32 @!p0 s4, s6;
	[sflag:s5] =	ssyncadd.s32 @!p0 $0xFFFFFFFF  }
0xb3: {  	s25 =	simm.s32 $0x1B8E;
	s24 =	sld [smem:$0x3FFE];
	[sflag:s4] =	ssyncadd.remote.s32 @!p0 $0x1  }
0xb4: {  	s26 =	simm.s32 $execute0_lowered;
	[smem:$0x3FD2] =	sst s25  }
0xb5: {  	s5 =	sshll.u32 s26, $0x1;
	_ =	strace $0x80000049;
	[dreg:$0x1] =	wrdreg $0xFFFFFFFF  }
0xb6: {  	s28 =	simm.s32 $_size_execute0_lowered;
	s3 =	sadd.s32 s3, s5;
	[dreg:$0x0] =	wrdreg $0x0  }
0xb7: {  	s5 =	sshll.u32 s28, $0x1;
	[dreg:$0x2] =	wrdreg s3  }
0xb8: {  	[dreg:$0x3] =	wrdreg s5  }
0xb9: {  	[dreg:$0x4] =	wrdreg $0xC0  }
0xba: {  	_ =	task [dreg:s22], $0x5FFFF  }
0xbb: {  	[dreg:$0x1] =	wrdreg $0xFFFFFFFF  }
0xbc: {  	[dreg:$0x0] =	wrdreg $0x60  }
0xbd: {  	[dreg:$0x2] =	wrdreg s24  }
0xbe: {  	[dreg:$0x3] =	wrdreg $0xC  }
0xbf: {  	_ =	task.clear_ibuf [dreg:s22], $0x4FFFF;
	_ =	strace $0x90000049  }
0xc0: {  	s29 =	simm.s32 $0xC;
	_ =	strace $0x8000004B  }
0xc1: {  	_ =	swait.ge [sflag:s29], $0x1  }
0xc2: {  	[sflag:s29] =	ssyncadd.s32 $0xFFFFFFFF  }
0xc3: {  	_ =	strace $0x9000004B  }
0xc4: {  	_ =	sfence  }
0xc5: {  	s30 =	sld [smem:$0x0];
	_ =	sdelay $0x2  }
0xc6: {  	s31 =	sshll.u32 s1, $0xD;
	s1 =	sshrl.u32 s1, $0x2  }
0xc7: {  	s4 =	sand.u32 $0x4000, s31;
	s1 =	sadd.s32 s1, s30  }
0xc8: {  	s0 =	sor.u32 s4, s0;
	s1 =	sshll.u32 s1, $0x11  }
0xc9: {  	s0 =	sor.u32 s1, s0  }
0xca: {  	s0 =	sadd.s32 $0x8F2B, s0  }
0xcb: {  	[sflag:s0] =	ssyncadd.remote.s32 $0x1  }
0xcc: {  	_ =	sfence.sel $0xFFFF  }
0xcd: {  	[dreg:$0x0] =	wrdreg $0xFFFFFFFF;
	(pc) =	sbr.abs _section_cstart, $3  }
0xce: {  	[dreg:$0x1] =	wrdreg $0xFFFFFFFF  }
0xcf: {  	_ =	task.clear_ibuf [dreg:s22], $0x2FFFF;
	_ =	strace $0x9FFFFFFF  }
0xd0: {  	(tm) =	ssettm $0x7FFFFFFF  }
0xd1: {  	_ =	shalt  }
tec
execute0_lowered:
.L_overlay_start_1:
0x0: {  	(tag) =	ssettag $0x1  }
0x1: {  	s1 =	srdreg.scid  }
0x2: {  	s0 =	stileid.u32;
	s2 =	rddreg [dreg:$0x0];
	s6 =	simm.s32 $0x1  }
0x3: {  	s9 =	simm.s32 $0x1;
	s10 =	simm.s32 $0x3;
	s1 =	sshll.u32 s1, $0x6  }
0x4: {  	s13 =	simm.s32 $0x0;
	s3 =	sshll.u32 s0, $0x7;
	s4 =	sand.u32 $0x40, s1  }
0x5: {  	s12 =	simm.s32 $0x0;
	s5 =	sadd.s32 $0x180800, s2;
	s3 =	sor.u32 s3, s4  }
0x6: {  	s1 =	rddreg [dreg:$0x1];
	_ =	strace $0x8000004A;
	s8 =	ssub.s32 $0x1000, s3  }
.Ltmp0:
0x7: {  	s4 =	sadd.s32 $0x400, s2;
	s7 =	sand.u32 $0x7C0, s8;
	(pc) =	sbr.rel .LBB2_1-.Ltmp0, $4  }
0x8: {  	[sflag:s6] =	ssyncpa.u1 $0x0;
	s11 =	smov.u32 s3;
	p0 =	sne.s32 s7, $0x0  }
0x9: {  	s8 =	sshrl.u32 s8, $0xB;
	s7 =	simm.s32 $0x2;
	s9 =	simm.s32 @!p0 $0x0  }
0xa: {  	[sflag:s7] =	ssyncpa.u1 $0x0;
	p0 =	por $0x0, $0x0;
	s8 =	sadd.s32 s9, s8  }
0xb: {  	vm0 =	vmmov $0xffff;
	[sflag:s10] =	ssyncpa.u1 $0x0;
	s10 =	simm.s32 $0x0;
	s9 =	sadd.s32 $0x1, s8  }
.LBB2_4:
0xc: {  	v2 =	vnsel vm1, $0x0, v2  }
0xd: {  	vm1 =	vgt.s32 v0, $0x0;
	v2 =	vmin.u32 v2, $0xFFF  }
0xe: {  	v0 =	vnsel vm1, $0x0, v0  }
0xf: {  	v0 =	vmin.u32 v0, $0xFFF  }
0x10: {  	[tilespmem:s15], [sflag:$0x1] =	stream.indirect_vreg.gather [hbm4b:s4+s10], $0x1, v1, vm0, $0x4038;
	[tilespmem:$0x100] =	vst v63  }
0x11: {  	(ifvalue) =	ssetifvalue $0x7FFFFFFF  }
0x12: {  	[tilespmem:s16], [sflag:$0x1] =	stream.indirect_vreg.gather [hbm4b:s4+s10], $0x1, v2, vm0, $0x4038;
	[tilespmem:$0x100] =	vst v63  }
0x13: {  	s29 =	sadd.s32 $0x10, s16;
	(ifvalue) =	ssetifvalue $0x7FFFFFFF  }
0x14: {  	[tilespmem:s29], [sflag:$0x1] =	stream.indirect_vreg.gather [hbm4b:s4+s10], $0x1, v0, vm0, $0x4038;
	[tilespmem:$0x100] =	vst v63  }
0x15: {  	_ =	swait.ge [sflag:s6], $0x40  }
0x16: {  	s30 =	sshrl.u32 s13, $0x3;
	[sflag:s6] =	ssyncset.done $0x0  }
0x17: {  	s31 =	sand.u32 $0x7, s13;
	s15 =	sadd.s32 s5, s30;
	[sflag:s6] =	ssyncadd.s32 $0xFFFFFFC0  }
0x18: {  	[hbm4b:s15+s31] =	stream.linear.scatter [tilespmem:s14], [sflag:$0x3], $0x40, $0x38;
	[tilespmem:$0x100] =	vst v63  }
.LBB2_5:
0x19: {  	s15 =	sadd.s32 $0x800, s11  }
0x1a: {  	p2 =	sgt.s32 s15, $0xFFF  }
0x1b: {  	s15 =	smov.u32 @p2 s3;
	p2 =	sne.s32 s12, s9  }
.Ltmp1:
0x1c: {  	p1 =	slt.u32 s12, $0x2;
	(pc) =	sbr.rel @!p2 .LBB2_6-.Ltmp1, $4  }
0x1d: {  	s14 =	simm.s32 @!p1 $0x3  }
0x1e: {  	s16 =	sadd.s32 $0x1, s12;
	_ =	swait.ge @!p1 [sflag:s14], $0x40  }
0x1f: {  	s13 =	smov.u32 s11;
	p0 =	por !p0, !p0;
	[sflag:s14] =	ssyncset.done @!p1 $0x0  }
0x20: {  	s12 =	smov.u32 s16;
	s11 =	smov.u32 s15;
	[sflag:s14] =	ssyncadd.s32 @!p1 $0xFFFFFFC0  }
.LBB2_1:
0x21: {  	p1 =	sge.u32 s12, s8  }
0x22: {  	s14 =	sxor.u32 @!p1 $0xFFFFFFFF, s12  }
0x23: {  	s31 =	sadd.s32 $0xFFFFFFFF, s12;
	s15 =	sshrl.u32 @!p1 s11, $0x3;
	s14 =	sshll.u32 @!p1 s14, $0x6  }
0x24: {  	s16 =	sand.u32 @!p1 $0x7, s11;
	s15 =	sadd.s32 @!p1 s2, s15;
	s14 =	sand.u32 @!p1 $0x40, s14  }
0x25: {  	[tilespmem:s14], [sflag:$0x2] =	stream.linear.gather @!p1 [hbm4b:s15+s16], $0x40, $0x38;
	[tilespmem:$0x100] =	vst v63  }
0x26: {  	p1 =	sge.u32 s31, s8  }
.Ltmp2:
0x27: {  	_ = 	snop;
	(pc) =	sbr.rel @p1 .LBB2_5-.Ltmp2, $1  }
0x28: {  	_ =	sdelay $0x3  }
0x29: {  	s14 =	simm.s32 $0x1  }
0x2a: {  	_ =	swait.ge [sflag:s7], $0x40;
	s14 =	simm.s32 @!p0 $0x0  }
0x2b: {  	[sflag:s7] =	ssyncset.done $0x0;
	s14 =	sshll.u32 s14, $0x6  }
0x2c: {  	[sflag:s7] =	ssyncadd.s32 $0xFFFFFFC0;
	(ifvalue) =	ssetifvalue $0x7FFFFFFF;
	v0 =	vld.msk [tilespmem:s14+$0x0 ss:$0x1], $0xffff;
	_ =	sdelay $0x4  }
0x2d: {  	s15 =	sadd.s32 $0x10, s14;
	vm1 =	vgt.s32 v0, $0x0  }
0x2e: {  	v2 =	vld.msk [tilespmem:s15+$0x0 ss:$0x1], $0xffff;
	v1 =	vnsel vm1, $0x0, v0  }
0x2f: {  	v1 =	vmin.u32 v1, $0xFFF;
	_ =	sdelay $0x1  }
0x30: {  	s16 =	sshll.u32 s12, $0x6;
	s18 =	simm.s32 $0x20  }
0x31: {  	s16 =	sand.u32 $0x40, s16;
	s17 =	sadd.s32 $0x10, s15;
	s15 =	sor.u32 $0x80, s14  }
0x32: {  	s14 =	sor.u32 $0x80, s16;
	s16 =	sadd.s32 $0x10, s15;
	v0 =	vld.msk [tilespmem:s17+$0x0 ss:$0x1], $0xffff;
	vm1 =	vgt.s32 v2, $0x0;
	(ifvalue) =	ssetifvalue $0x7FFFFFFF  }
.LBB2_3:
0x33: {  	[tilespmem:s15], [sflag:$0x1] =	stream.indirect_vreg.gather [hbm4b:s4+s10], $0x1, v1, vm0, $0x4038;
	[tilespmem:$0x100] =	vst v63  }
0x34: {  	s18 =	sadd.s32 $0x10, s18  }
0x35: {  	v2 =	vnsel vm1, $0x0, v2;
	p1 =	slt.u32 s18, $0x30  }
.Ltmp3:
0x36: {  	s15 =	smov.u32 s16;
	v1 =	vmin.u32 v2, $0xFFF;
	(pc) =	sbr.rel @p1 .LBB2_3-.Ltmp3, $3  }
0x37: {  	_ =	sdelay $0x1  }
0x38: {  	s17 =	sadd.s32 $0x10, s17  }
0x39: {  	vm1 =	vgt.s32 v0, $0x0;
	s16 =	sadd.s32 $0x10, s16;
	v2 =	vmov v0;
	(ifvalue) =	ssetifvalue $0x7FFFFFFF;
	v0 =	vld.msk [tilespmem:s17+$0x0 ss:$0x1], $0xffff  }
.Ltmp4:
0x3a: {  	_ = 	snop;
	(pc) =	sbr.rel .LBB2_4-.Ltmp4, $1  }
0x3b: {  	_ =	sdelay $0x3  }
.LBB2_6:
0x3c: {  	_ =	sfence.sel $0x180000  }
0x3d: {  	s2 =	simm.s32 $0x2;
	[bflag:$0x0] =	sbarrier.arrive $0xFFFF  }
0x3e: {  	s30 =	simm.s32 $0x3;
	[sflag:s2] =	ssyncpa.u1 $0x1  }
0x3f: {  	s31 =	simm.s32 $0x1;
	[sflag:s30] =	ssyncpa.u1 $0x1  }
0x40: {  	[sflag:s31] =	ssyncpa.u1 $0x1  }
0x41: {  	p0 =	sne.s32 s0, $0x0;
	_ =	strace $0x9000004A  }
0x42: {  	s0 =	sadd.s32 @!p0 $0x100000, s1;
	[bflag:$0x2] =	sbarrier.arrive $0xFFFF  }
0x43: {  	[sflag:s0] =	ssyncadd.tile.s32 @!p0 $0x1;
	_ =	shalt  }
.Lfunc_end2:
_tile_overlayer_lowered:
.L_overlay_start_2:
0x44: {  	(tag) =	ssettag $0x2  }
0x45: {  	s0 =	rddreg [dreg:$0x0];
	s2 =	stileid.u32  }
0x46: {  	s1 =	rddreg [dreg:$0x1];
	p0 =	sne.s32 s2, $0x0  }
0x47: {  	s3 =	rddreg [dreg:$0x2];
	[bflag:$0x3] =	sbarrier.arrive $0xFFFF;
	s2 =	simm.s32 @!p0 $0x1C01  }
0x48: {  	[timem:s3], [sflag:s2] =	dma.local @!p0 [hbm:s0], s1  }
0x49: {  	s0 =	simm.s32 @!p0 $0x1  }
0x4a: {  	_ =	swait.ge @!p0 [sflag:s0], s1  }
0x4b: {  	s1 =	ssub.s32 @!p0 $0x0, s1;
	[sflag:s0] =	ssyncset.done @!p0 $0x0  }
0x4c: {  	[sflag:s0] =	ssyncadd.s32 @!p0 s1  }
0x4d: {  	[bflag:$0x3] =	sbarrier.arrive $0xFFFF  }
0x4e: {  	_ =	shalt  }

// kernel: gather_offload_async_start.2
scs
__scs_entry_jumppad:
0x0: {  	(pc) =	sbr.rel $0x88, $3  }
0x1: {  	(tag) =	ssettag $0x0;
	lr =	simm.s32 $0x1  }
0x2: {  	[smem:$0x3F9A] =	sst lr;
	_ =	strace $0xD0000000  }
0x3: {  	_ = 	snop  }
0x4: {  	_ = 	snop  }
0x5: {  	_ = 	snop  }
0x6: {  	_ = 	snop  }
0x7: {  	_ = 	snop  }
__scs_overlays_trampoline_lowered:
0x8: {  	[smem:$0x3FA9] =	sst s0  }
0x9: {  	[smem:$0x3FAA] =	sst s1  }
0xa: {  	[smem:$0x3FAB] =	sst s2  }
0xb: {  	[smem:$0x3FAC] =	sst s3  }
0xc: {  	[smem:$0x3FAD] =	sst s4  }
0xd: {  	[smem:$0x3FAE] =	sst s5  }
0xe: {  	[smem:$0x3FAF] =	sst s6  }
0xf: {  	[smem:$0x3FB0] =	sst s7  }
0x10: {  	[smem:$0x3FB1] =	sst s8  }
0x11: {  	[smem:$0x3FB2] =	sst s9;
	s0 =	simm.s32 @!p0 $0x0  }
0x12: {  	s1 =	sld [smem:$0x3F98];
	s0 =	simm.s32 @p0 $0x1  }
0x13: {  	[smem:$0x3FB3] =	sst s0;
	s0 =	simm.s32 @!p1 $0x0  }
0x14: {  	s2 =	sld [smem:$0x3F97];
	s0 =	simm.s32 @p1 $0x1  }
0x15: {  	[smem:$0x3FB4] =	sst s0;
	s0 =	simm.s32 @!p2 $0x0  }
0x16: {  	s3 =	sld [smem:$0x3FDB];
	s0 =	simm.s32 @p2 $0x1  }
0x17: {  	s4 =	simm.s32 $0x1BF5;
	[smem:$0x3FB6] =	sst s0  }
0x18: {  	s0 =	sld [smem:$0x3F99];
	_ =	swait.ge [sflag:s4], $0x0  }
0x19: {  	s7 =	sld [smem:$0x3F9A]  }
0x1a: {  	s8 =	sadd.s32 $0xFFFFE003, lr  }
0x1b: {  	s9 =	sadd.s32 $0xFFFFFEF7, lr;
	s5 =	simm.s32 $0xFFFFFFFF;
	p2 =	slt.u32 s8, $0xFFFFF086  }
0x1c: {  	p1 =	slt.u32 s9, $0xF7A;
	s5 =	simm.s32 @!p2 $0x0  }
0x1d: {  	s5 =	simm.s32 @p1 $0x1;
	p0 =	seq.s32 s7, s2  }
0x1e: {  	s7 =	smul.u32 @!p0 $0xF7A, s2;
	p2 =	seq.s32 @!p0 s5, $0x0  }
0x1f: {  	s9 =	smul.u32 $0xF7A, s1;
	s8 =	simm.s32 @!p0 $0x1BF5;
	p2 =	por !p2, p0  }
0x20: {  	[sflag:s8] =	ssyncset.s32 @!p0 $0xFFFFF086;
	s6 =	sadd.s32 @!p0 s3, s7;
	s7 =	simm.s32 @!p0 $0x108  }
0x21: {  	s3 =	sadd.s32 s3, s9;
	s6 =	sadd.s32 @!p0 $0x88, s6;
	s7 =	simm.s32 @p2 $0x1082  }
0x22: {  	[simem:s7], [sflag:s8] =	dma.local @!p0 [hbm:s6], $0xF7A  }
0x23: {  	s9 =	sor.u32 $0xD0000000, s2;
	s6 =	simm.s32 $0x108;
	_ =	swait.ge @!p0 [sflag:s8], $0x0  }
0x24: {  	s3 =	sadd.s32 $0x88, s3;
	s6 =	simm.s32 @!p1 $0x1082;
	[sflag:s4] =	ssyncset.s32 $0xFFFFF086  }
0x25: {  	[simem:s6], [sflag:s4] =	dma.local [hbm:s3], $0xF7A  }
0x26: {  	[smem:$0x3F9A] =	sst s1;
	(tag) =	ssettag s2;
	_ =	strace s9  }
0x27: {  	s1 =	sld [smem:$0x3FAA]  }
0x28: {  	s2 =	sld [smem:$0x3FAB]  }
0x29: {  	s4 =	sld [smem:$0x3FAD]  }
0x2a: {  	p0 =	seq.s32 s5, $0x0;
	s5 =	sld [smem:$0x3FAE]  }
0x2b: {  	s6 =	sld [smem:$0x3FAF]  }
0x2c: {  	s7 =	sld [smem:$0x3FB0]  }
0x2d: {  	s3 =	simm.s32 $0x108;
	s8 =	sld [smem:$0x3FB1]  }
0x2e: {  	s3 =	simm.s32 @!p0 $0x1082;
	s9 =	sld [smem:$0x3FB2]  }
0x2f: {  	lr =	sadd.s32 s0, s3;
	s0 =	sld [smem:$0x3FA9]  }
0x30: {  	s3 =	sld [smem:$0x3FAC]  }
0x31: {  	[smem:$0x3FB5] =	sst s10  }
0x32: {  	s10 =	sld [smem:$0x3FB3];
	_ =	sdelay $0x3  }
0x33: {  	p0 =	seq.s32 s10, $0x1;
	s10 =	sld [smem:$0x3FB5];
	_ =	sdelay $0x3  }
0x34: {  	[smem:$0x3FB5] =	sst s10  }
0x35: {  	s10 =	sld [smem:$0x3FB4];
	_ =	sdelay $0x3  }
0x36: {  	p1 =	seq.s32 s10, $0x1;
	s10 =	sld [smem:$0x3FB5];
	_ =	sdelay $0x3  }
0x37: {  	[smem:$0x3FB5] =	sst s10  }
0x38: {  	s10 =	sld [smem:$0x3FB6]  }
0x39: {  	_ = 	snop;
	(pc) =	sbr.ind lr, $3  }
0x3a: {  	_ = 	snop  }
0x3b: {  	_ = 	snop  }
0x3c: {  	p2 =	seq.s32 s10, $0x1;
	s10 =	sld [smem:$0x3FB5]  }
0x3d: {  	_ =	shalt  }
0x3e: {  	_ =	shalt  }
0x3f: {  	_ =	shalt  }
0x40: {  	_ =	shalt  }
0x41: {  	_ =	shalt  }
0x42: {  	_ =	shalt  }
0x43: {  	_ =	shalt  }
0x44: {  	_ =	shalt  }
0x45: {  	_ =	shalt  }
0x46: {  	_ =	shalt  }
0x47: {  	_ =	shalt  }
0x48: {  	_ =	shalt  }
0x49: {  	_ =	shalt  }
0x4a: {  	_ =	shalt  }
0x4b: {  	_ =	shalt  }
0x4c: {  	_ =	shalt  }
0x4d: {  	_ =	shalt  }
0x4e: {  	_ =	shalt  }
0x4f: {  	_ =	shalt  }
0x50: {  	_ =	shalt  }
0x51: {  	_ =	shalt  }
0x52: {  	_ =	shalt  }
0x53: {  	_ =	shalt  }
0x54: {  	_ =	shalt  }
0x55: {  	_ =	shalt  }
0x56: {  	_ =	shalt  }
0x57: {  	_ =	shalt  }
0x58: {  	_ =	shalt  }
0x59: {  	_ =	shalt  }
0x5a: {  	_ =	shalt  }
0x5b: {  	_ =	shalt  }
0x5c: {  	_ =	shalt  }
0x5d: {  	_ =	shalt  }
0x5e: {  	_ =	shalt  }
0x5f: {  	_ =	shalt  }
0x60: {  	_ =	shalt  }
0x61: {  	_ =	shalt  }
0x62: {  	_ =	shalt  }
0x63: {  	_ =	shalt  }
0x64: {  	_ =	shalt  }
0x65: {  	_ =	shalt  }
0x66: {  	_ =	shalt  }
0x67: {  	_ =	shalt  }
0x68: {  	_ =	shalt  }
0x69: {  	_ =	shalt  }
0x6a: {  	_ =	shalt  }
0x6b: {  	_ =	shalt  }
0x6c: {  	_ =	shalt  }
0x6d: {  	_ =	shalt  }
0x6e: {  	_ =	shalt  }
0x6f: {  	_ =	shalt  }
0x70: {  	_ =	shalt  }
0x71: {  	_ =	shalt  }
0x72: {  	_ =	shalt  }
0x73: {  	_ =	shalt  }
0x74: {  	_ =	shalt  }
0x75: {  	_ =	shalt  }
0x76: {  	_ =	shalt  }
0x77: {  	_ =	shalt  }
0x78: {  	_ =	shalt  }
0x79: {  	_ =	shalt  }
0x7a: {  	_ =	shalt  }
0x7b: {  	_ =	shalt  }
0x7c: {  	_ =	shalt  }
0x7d: {  	_ =	shalt  }
0x7e: {  	_ =	shalt  }
0x7f: {  	_ =	shalt  }
0x80: {  	_ =	shalt  }
0x81: {  	_ =	shalt  }
0x82: {  	_ =	shalt  }
0x83: {  	_ =	shalt  }
0x84: {  	_ =	shalt  }
0x85: {  	_ =	shalt  }
0x86: {  	_ =	shalt  }
0x87: {  	_ =	shalt  }
.Lfunc_end0:
.L_simem_size_0:
called_computation.3_lowered:
.L_overlay_start_0:
0x88: {  	s2 =	sld [smem:$0x3FD9]  }
0x89: {  	s3 =	sld [smem:$0x3FFE];
	_ =	sdelay $0x1  }
0x8a: {  	s1 =	srdreg.scid  }
0x8b: {  	s0 =	sand.u32 $0x1, s1  }
0x8c: {  	s17 =	sshll.u32 s0, $0xA;
	s2 =	sadd.s32 s3, s2  }
0x8d: {  	s2 =	sadd.s32 s2, s17  }
0x8e: {  	[smem:$0x3FC1] =	sst s2  }
0x8f: {  	_ = 	snop  }
0x90: {  	(tm) =	ssettm $0x1  }
0x91: {  	s18 =	sld [smem:$0x3FFB];
	_ =	sdelay $0x3  }
0x92: {  	_ =	strace s18  }
0x93: {  	s2 =	sld [smem:$0x3FFC];
	_ =	sdelay $0x3  }
0x94: {  	_ =	strace s2  }
0x95: {  	s2 =	sld [smem:$0x3FFD];
	_ =	sdelay $0x3  }
0x96: {  	_ =	strace s2  }
0x97: {  	_ =	strace $0x8FFFFFFF  }
0x98: {  	s19 =	sld [smem:$0x3FDB];
	_ =	sdelay $0x1  }
0x99: {  	s20 =	simm.s32 $_scs_section_size  }
0x9a: {  	s4 =	simm.s32 $_size__tile_overlayer_lowered;
	s5 =	simm.s32 $_tile_overlayer_lowered  }
0x9b: {  	s6 =	simm.s32 $0x1BFF;
	s21 =	sshll.u32 s5, $0x1;
	s3 =	sadd.s32 s20, s19  }
0x9c: {  	s22 =	simm.s32 $0x0;
	s4 =	sshll.u32 s4, $0x1;
	s5 =	sadd.s32 s21, s3  }
0x9d: {  	[timem:s22], [sflag:s6] =	dma.local [hbm:s5], s4  }
0x9e: {  	_ =	swait.ge [sflag:s6], s4  }
0x9f: {  	s4 =	ssub.s32 $0x0, s4;
	[sflag:s6] =	ssyncset.done $0x0  }
0xa0: {  	[sflag:s6] =	ssyncadd.s32 s4;
	_ =	sdelay $0x1  }
0xa1: {  	s23 =	simm.s32 $0x1B8B  }
0xa2: {  	_ =	swait.ge [sflag:s23], $0x1  }
0xa3: {  	[sflag:s23] =	ssyncset.done $0x0  }
0xa4: {  	[sflag:s23] =	ssyncadd.s32 $0xFFFFFFFF  }
0xa5: {  	s4 =	sld [smem:$0x0]  }
0xa6: {  	s5 =	sand.u32 $0xFFFFFFFE, s1  }
0xa7: {  	p0 =	sne.s32 s1, s5  }
0xa8: {  	s5 =	sshll.u32 @p0 s5, $0xE  }
0xa9: {  	s5 =	sadd.s32 @p0 $0x11B8D, s5;
	s6 =	sshll.u32 @p0 s4, $0x11  }
0xaa: {  	s5 =	sor.u32 @p0 s6, s5  }
0xab: {  	[sflag:s5] =	ssyncadd.remote.s32 @p0 $0x1;
	_ =	sdelay $0x1  }
0xac: {  	s5 =	simm.s32 @p0 $0x1B8D  }
0xad: {  	_ =	swait.eq @p0 [sflag:s5], $0x1  }
0xae: {  	[sflag:s5] =	ssyncadd.s32 @p0 $0xFFFFFFFF  }
0xaf: {  	s6 =	sshll.u32 @!p0 s1, $0xE  }
0xb0: {  	s6 =	sor.u32 @!p0 $0x4000, s6;
	s5 =	simm.s32 @!p0 $0x1B8D  }
0xb1: {  	s4 =	sshll.u32 @!p0 s4, $0x11;
	s6 =	sadd.s32 @!p0 $0x11B8D, s6;
	_ =	swait.eq @!p0 [sflag:s5], $0x1  }
0xb2: {  	s4 =	sor.u32 @!p0 s4, s6;
	[sflag:s5] =	ssyncadd.s32 @!p0 $0xFFFFFFFF  }
0xb3: {  	s25 =	simm.s32 $0x1B8E;
	s24 =	sld [smem:$0x3FFE];
	[sflag:s4] =	ssyncadd.remote.s32 @!p0 $0x1  }
0xb4: {  	s26 =	simm.s32 $execute0_lowered;
	[smem:$0x3FD2] =	sst s25  }
0xb5: {  	s5 =	sshll.u32 s26, $0x1;
	_ =	strace $0x8000004C;
	[dreg:$0x1] =	wrdreg $0xFFFFFFFF  }
0xb6: {  	s28 =	simm.s32 $_size_execute0_lowered;
	s3 =	sadd.s32 s3, s5;
	[dreg:$0x0] =	wrdreg $0x0  }
0xb7: {  	s5 =	sshll.u32 s28, $0x1;
	[dreg:$0x2] =	wrdreg s3  }
0xb8: {  	[dreg:$0x3] =	wrdreg s5  }
0xb9: {  	[dreg:$0x4] =	wrdreg $0xC0  }
0xba: {  	_ =	task [dreg:s22], $0x5FFFF  }
0xbb: {  	[dreg:$0x1] =	wrdreg $0xFFFFFFFF  }
0xbc: {  	[dreg:$0x0] =	wrdreg $0x60  }
0xbd: {  	[dreg:$0x2] =	wrdreg s24  }
0xbe: {  	[dreg:$0x3] =	wrdreg $0xA  }
0xbf: {  	_ =	task.clear_ibuf [dreg:s22], $0x4FFFF;
	_ =	strace $0x9000004C  }
0xc0: {  	s29 =	simm.s32 $0xA;
	_ =	strace $0x8000004E  }
0xc1: {  	_ =	swait.ge [sflag:s29], $0x1  }
0xc2: {  	[sflag:s29] =	ssyncadd.s32 $0xFFFFFFFF  }
0xc3: {  	_ =	strace $0x9000004E  }
0xc4: {  	_ =	sfence  }
0xc5: {  	s30 =	sld [smem:$0x0];
	_ =	sdelay $0x2  }
0xc6: {  	s31 =	sshll.u32 s1, $0xD;
	s1 =	sshrl.u32 s1, $0x2  }
0xc7: {  	s4 =	sand.u32 $0x4000, s31;
	s1 =	sadd.s32 s1, s30  }
0xc8: {  	s0 =	sor.u32 s4, s0;
	s1 =	sshll.u32 s1, $0x11  }
0xc9: {  	s0 =	sor.u32 s1, s0  }
0xca: {  	s0 =	sadd.s32 $0x8F2B, s0  }
0xcb: {  	[sflag:s0] =	ssyncadd.remote.s32 $0x1  }
0xcc: {  	_ =	sfence.sel $0xFFFF  }
0xcd: {  	[dreg:$0x0] =	wrdreg $0xFFFFFFFF;
	(pc) =	sbr.abs _section_cstart, $3  }
0xce: {  	[dreg:$0x1] =	wrdreg $0xFFFFFFFF  }
0xcf: {  	_ =	task.clear_ibuf [dreg:s22], $0x2FFFF;
	_ =	strace $0x9FFFFFFF  }
0xd0: {  	(tm) =	ssettm $0x7FFFFFFF  }
0xd1: {  	_ =	shalt  }
tec
execute0_lowered:
.L_overlay_start_1:
0x0: {  	(tag) =	ssettag $0x1  }
0x1: {  	s0 =	srdreg.scid  }
0x2: {  	s2 =	rddreg [dreg:$0x0];
	s1 =	stileid.u32;
	s6 =	simm.s32 $0x1  }
0x3: {  	s9 =	simm.s32 $0x1;
	s10 =	simm.s32 $0x3;
	s3 =	sshll.u32 s0, $0x6  }
0x4: {  	s13 =	simm.s32 $0x0;
	s4 =	sshll.u32 s1, $0x7;
	s3 =	sand.u32 $0x40, s3  }
0x5: {  	s0 =	rddreg [dreg:$0x1];
	_ =	strace $0x8000004D;
	s3 =	sor.u32 s4, s3  }
0x6: {  	s12 =	simm.s32 $0x0;
	s5 =	sadd.s32 $0x180C00, s2;
	s8 =	ssub.s32 $0x1000, s3  }
.Ltmp0:
0x7: {  	[sflag:s6] =	ssyncpa.u1 $0x0;
	s7 =	sand.u32 $0x7C0, s8;
	(pc) =	sbr.rel .LBB2_1-.Ltmp0, $4  }
0x8: {  	s4 =	sadd.s32 $0x180A00, s2;
	s11 =	smov.u32 s3;
	p0 =	sne.s32 s7, $0x0  }
0x9: {  	s8 =	sshrl.u32 s8, $0xB;
	s7 =	simm.s32 $0x2;
	s9 =	simm.s32 @!p0 $0x0  }
0xa: {  	[sflag:s7] =	ssyncpa.u1 $0x0;
	p0 =	por $0x0, $0x0;
	s8 =	sadd.s32 s9, s8  }
0xb: {  	vm0 =	vmmov $0xffff;
	[sflag:s10] =	ssyncpa.u1 $0x0;
	s10 =	simm.s32 $0x0;
	s9 =	sadd.s32 $0x1, s8  }
.LBB2_4:
0xc: {  	v2 =	vnsel vm1, $0x0, v2  }
0xd: {  	vm1 =	vgt.s32 v0, $0x0;
	v2 =	vmin.u32 v2, $0xFFF  }
0xe: {  	v0 =	vnsel vm1, $0x0, v0  }
0xf: {  	v0 =	vmin.u32 v0, $0xFFF  }
0x10: {  	[tilespmem:s15], [sflag:$0x1] =	stream.indirect_vreg.gather [hbm4b:s4+s10], $0x1, v1, vm0, $0x4038;
	[tilespmem:$0x100] =	vst v63  }
0x11: {  	(ifvalue) =	ssetifvalue $0x7FFFFFFF  }
0x12: {  	[tilespmem:s16], [sflag:$0x1] =	stream.indirect_vreg.gather [hbm4b:s4+s10], $0x1, v2, vm0, $0x4038;
	[tilespmem:$0x100] =	vst v63  }
0x13: {  	s29 =	sadd.s32 $0x10, s16;
	(ifvalue) =	ssetifvalue $0x7FFFFFFF  }
0x14: {  	[tilespmem:s29], [sflag:$0x1] =	stream.indirect_vreg.gather [hbm4b:s4+s10], $0x1, v0, vm0, $0x4038;
	[tilespmem:$0x100] =	vst v63  }
0x15: {  	_ =	swait.ge [sflag:s6], $0x40  }
0x16: {  	s30 =	sshrl.u32 s13, $0x3;
	[sflag:s6] =	ssyncset.done $0x0  }
0x17: {  	s31 =	sand.u32 $0x7, s13;
	s15 =	sadd.s32 s5, s30;
	[sflag:s6] =	ssyncadd.s32 $0xFFFFFFC0  }
0x18: {  	[hbm4b:s15+s31] =	stream.linear.scatter [tilespmem:s14], [sflag:$0x3], $0x40, $0x38;
	[tilespmem:$0x100] =	vst v63  }
.LBB2_5:
0x19: {  	s15 =	sadd.s32 $0x800, s11  }
0x1a: {  	p2 =	sgt.s32 s15, $0xFFF  }
0x1b: {  	s15 =	smov.u32 @p2 s3;
	p2 =	sne.s32 s12, s9  }
.Ltmp1:
0x1c: {  	p1 =	slt.u32 s12, $0x2;
	(pc) =	sbr.rel @!p2 .LBB2_6-.Ltmp1, $4  }
0x1d: {  	s14 =	simm.s32 @!p1 $0x3  }
0x1e: {  	s16 =	sadd.s32 $0x1, s12;
	_ =	swait.ge @!p1 [sflag:s14], $0x40  }
0x1f: {  	s13 =	smov.u32 s11;
	p0 =	por !p0, !p0;
	[sflag:s14] =	ssyncset.done @!p1 $0x0  }
0x20: {  	s12 =	smov.u32 s16;
	s11 =	smov.u32 s15;
	[sflag:s14] =	ssyncadd.s32 @!p1 $0xFFFFFFC0  }
.LBB2_1:
0x21: {  	p1 =	sge.u32 s12, s8  }
0x22: {  	s14 =	sxor.u32 @!p1 $0xFFFFFFFF, s12  }
0x23: {  	s31 =	sadd.s32 $0xFFFFFFFF, s12;
	s15 =	sshrl.u32 @!p1 s11, $0x3;
	s14 =	sshll.u32 @!p1 s14, $0x6  }
0x24: {  	s16 =	sand.u32 @!p1 $0x7, s11;
	s15 =	sadd.s32 @!p1 s2, s15;
	s14 =	sand.u32 @!p1 $0x40, s14  }
0x25: {  	[tilespmem:s14], [sflag:$0x2] =	stream.linear.gather @!p1 [hbm4b:s15+s16], $0x40, $0x38;
	[tilespmem:$0x100] =	vst v63  }
0x26: {  	p1 =	sge.u32 s31, s8  }
.Ltmp2:
0x27: {  	_ = 	snop;
	(pc) =	sbr.rel @p1 .LBB2_5-.Ltmp2, $1  }
0x28: {  	_ =	sdelay $0x3  }
0x29: {  	s14 =	simm.s32 $0x1  }
0x2a: {  	_ =	swait.ge [sflag:s7], $0x40;
	s14 =	simm.s32 @!p0 $0x0  }
0x2b: {  	[sflag:s7] =	ssyncset.done $0x0;
	s14 =	sshll.u32 s14, $0x6  }
0x2c: {  	[sflag:s7] =	ssyncadd.s32 $0xFFFFFFC0;
	(ifvalue) =	ssetifvalue $0x7FFFFFFF;
	v0 =	vld.msk [tilespmem:s14+$0x0 ss:$0x1], $0xffff;
	_ =	sdelay $0x4  }
0x2d: {  	s15 =	sadd.s32 $0x10, s14;
	vm1 =	vgt.s32 v0, $0x0  }
0x2e: {  	v2 =	vld.msk [tilespmem:s15+$0x0 ss:$0x1], $0xffff;
	v1 =	vnsel vm1, $0x0, v0  }
0x2f: {  	v1 =	vmin.u32 v1, $0xFFF;
	_ =	sdelay $0x1  }
0x30: {  	s16 =	sshll.u32 s12, $0x6;
	s18 =	simm.s32 $0x20  }
0x31: {  	s16 =	sand.u32 $0x40, s16;
	s17 =	sadd.s32 $0x10, s15;
	s15 =	sor.u32 $0x80, s14  }
0x32: {  	s14 =	sor.u32 $0x80, s16;
	s16 =	sadd.s32 $0x10, s15;
	v0 =	vld.msk [tilespmem:s17+$0x0 ss:$0x1], $0xffff;
	vm1 =	vgt.s32 v2, $0x0;
	(ifvalue) =	ssetifvalue $0x7FFFFFFF  }
.LBB2_3:
0x33: {  	[tilespmem:s15], [sflag:$0x1] =	stream.indirect_vreg.gather [hbm4b:s4+s10], $0x1, v1, vm0, $0x4038;
	[tilespmem:$0x100] =	vst v63  }
0x34: {  	s18 =	sadd.s32 $0x10, s18  }
0x35: {  	v2 =	vnsel vm1, $0x0, v2;
	p1 =	slt.u32 s18, $0x30  }
.Ltmp3:
0x36: {  	s15 =	smov.u32 s16;
	v1 =	vmin.u32 v2, $0xFFF;
	(pc) =	sbr.rel @p1 .LBB2_3-.Ltmp3, $3  }
0x37: {  	_ =	sdelay $0x1  }
0x38: {  	s17 =	sadd.s32 $0x10, s17  }
0x39: {  	vm1 =	vgt.s32 v0, $0x0;
	s16 =	sadd.s32 $0x10, s16;
	v2 =	vmov v0;
	(ifvalue) =	ssetifvalue $0x7FFFFFFF;
	v0 =	vld.msk [tilespmem:s17+$0x0 ss:$0x1], $0xffff  }
.Ltmp4:
0x3a: {  	_ = 	snop;
	(pc) =	sbr.rel .LBB2_4-.Ltmp4, $1  }
0x3b: {  	_ =	sdelay $0x3  }
.LBB2_6:
0x3c: {  	_ =	sfence.sel $0x180000  }
0x3d: {  	s2 =	simm.s32 $0x2;
	[bflag:$0x0] =	sbarrier.arrive $0xFFFF  }
0x3e: {  	s30 =	simm.s32 $0x3;
	[sflag:s2] =	ssyncpa.u1 $0x1  }
0x3f: {  	s31 =	simm.s32 $0x1;
	[sflag:s30] =	ssyncpa.u1 $0x1  }
0x40: {  	[sflag:s31] =	ssyncpa.u1 $0x1  }
0x41: {  	p0 =	sne.s32 s1, $0x0;
	_ =	strace $0x9000004D  }
0x42: {  	s0 =	sadd.s32 @!p0 $0x100000, s0;
	[bflag:$0x2] =	sbarrier.arrive $0xFFFF  }
0x43: {  	[sflag:s0] =	ssyncadd.tile.s32 @!p0 $0x1;
	_ =	shalt  }
.Lfunc_end2:
_tile_overlayer_lowered:
.L_overlay_start_2:
0x44: {  	(tag) =	ssettag $0x2  }
0x45: {  	s0 =	rddreg [dreg:$0x0];
	s2 =	stileid.u32  }
0x46: {  	s1 =	rddreg [dreg:$0x1];
	p0 =	sne.s32 s2, $0x0  }
0x47: {  	s3 =	rddreg [dreg:$0x2];
	[bflag:$0x3] =	sbarrier.arrive $0xFFFF;
	s2 =	simm.s32 @!p0 $0x1C01  }
0x48: {  	[timem:s3], [sflag:s2] =	dma.local @!p0 [hbm:s0], s1  }
0x49: {  	s0 =	simm.s32 @!p0 $0x1  }
0x4a: {  	_ =	swait.ge @!p0 [sflag:s0], s1  }
0x4b: {  	s1 =	ssub.s32 @!p0 $0x0, s1;
	[sflag:s0] =	ssyncset.done @!p0 $0x0  }
0x4c: {  	[sflag:s0] =	ssyncadd.s32 @!p0 s1  }
0x4d: {  	[bflag:$0x3] =	sbarrier.arrive $0xFFFF  }
0x4e: {  	_ =	shalt  }

// kernel: gather_offload_async_start
scs
__scs_entry_jumppad:
0x0: {  	(pc) =	sbr.rel $0x88, $3  }
0x1: {  	(tag) =	ssettag $0x0;
	lr =	simm.s32 $0x1  }
0x2: {  	[smem:$0x3F9A] =	sst lr;
	_ =	strace $0xD0000000  }
0x3: {  	_ = 	snop  }
0x4: {  	_ = 	snop  }
0x5: {  	_ = 	snop  }
0x6: {  	_ = 	snop  }
0x7: {  	_ = 	snop  }
__scs_overlays_trampoline_lowered:
0x8: {  	[smem:$0x3FA9] =	sst s0  }
0x9: {  	[smem:$0x3FAA] =	sst s1  }
0xa: {  	[smem:$0x3FAB] =	sst s2  }
0xb: {  	[smem:$0x3FAC] =	sst s3  }
0xc: {  	[smem:$0x3FAD] =	sst s4  }
0xd: {  	[smem:$0x3FAE] =	sst s5  }
0xe: {  	[smem:$0x3FAF] =	sst s6  }
0xf: {  	[smem:$0x3FB0] =	sst s7  }
0x10: {  	[smem:$0x3FB1] =	sst s8  }
0x11: {  	[smem:$0x3FB2] =	sst s9;
	s0 =	simm.s32 @!p0 $0x0  }
0x12: {  	s1 =	sld [smem:$0x3F98];
	s0 =	simm.s32 @p0 $0x1  }
0x13: {  	[smem:$0x3FB3] =	sst s0;
	s0 =	simm.s32 @!p1 $0x0  }
0x14: {  	s2 =	sld [smem:$0x3F97];
	s0 =	simm.s32 @p1 $0x1  }
0x15: {  	[smem:$0x3FB4] =	sst s0;
	s0 =	simm.s32 @!p2 $0x0  }
0x16: {  	s3 =	sld [smem:$0x3FDB];
	s0 =	simm.s32 @p2 $0x1  }
0x17: {  	s4 =	simm.s32 $0x1BF5;
	[smem:$0x3FB6] =	sst s0  }
0x18: {  	s0 =	sld [smem:$0x3F99];
	_ =	swait.ge [sflag:s4], $0x0  }
0x19: {  	s7 =	sld [smem:$0x3F9A]  }
0x1a: {  	s8 =	sadd.s32 $0xFFFFE003, lr  }
0x1b: {  	s9 =	sadd.s32 $0xFFFFFEF7, lr;
	s5 =	simm.s32 $0xFFFFFFFF;
	p2 =	slt.u32 s8, $0xFFFFF086  }
0x1c: {  	p1 =	slt.u32 s9, $0xF7A;
	s5 =	simm.s32 @!p2 $0x0  }
0x1d: {  	s5 =	simm.s32 @p1 $0x1;
	p0 =	seq.s32 s7, s2  }
0x1e: {  	s7 =	smul.u32 @!p0 $0xF7A, s2;
	p2 =	seq.s32 @!p0 s5, $0x0  }
0x1f: {  	s9 =	smul.u32 $0xF7A, s1;
	s8 =	simm.s32 @!p0 $0x1BF5;
	p2 =	por !p2, p0  }
0x20: {  	[sflag:s8] =	ssyncset.s32 @!p0 $0xFFFFF086;
	s6 =	sadd.s32 @!p0 s3, s7;
	s7 =	simm.s32 @!p0 $0x108  }
0x21: {  	s3 =	sadd.s32 s3, s9;
	s6 =	sadd.s32 @!p0 $0x88, s6;
	s7 =	simm.s32 @p2 $0x1082  }
0x22: {  	[simem:s7], [sflag:s8] =	dma.local @!p0 [hbm:s6], $0xF7A  }
0x23: {  	s9 =	sor.u32 $0xD0000000, s2;
	s6 =	simm.s32 $0x108;
	_ =	swait.ge @!p0 [sflag:s8], $0x0  }
0x24: {  	s3 =	sadd.s32 $0x88, s3;
	s6 =	simm.s32 @!p1 $0x1082;
	[sflag:s4] =	ssyncset.s32 $0xFFFFF086  }
0x25: {  	[simem:s6], [sflag:s4] =	dma.local [hbm:s3], $0xF7A  }
0x26: {  	[smem:$0x3F9A] =	sst s1;
	(tag) =	ssettag s2;
	_ =	strace s9  }
0x27: {  	s1 =	sld [smem:$0x3FAA]  }
0x28: {  	s2 =	sld [smem:$0x3FAB]  }
0x29: {  	s4 =	sld [smem:$0x3FAD]  }
0x2a: {  	p0 =	seq.s32 s5, $0x0;
	s5 =	sld [smem:$0x3FAE]  }
0x2b: {  	s6 =	sld [smem:$0x3FAF]  }
0x2c: {  	s7 =	sld [smem:$0x3FB0]  }
0x2d: {  	s3 =	simm.s32 $0x108;
	s8 =	sld [smem:$0x3FB1]  }
0x2e: {  	s3 =	simm.s32 @!p0 $0x1082;
	s9 =	sld [smem:$0x3FB2]  }
0x2f: {  	lr =	sadd.s32 s0, s3;
	s0 =	sld [smem:$0x3FA9]  }
0x30: {  	s3 =	sld [smem:$0x3FAC]  }
0x31: {  	[smem:$0x3FB5] =	sst s10  }
0x32: {  	s10 =	sld [smem:$0x3FB3];
	_ =	sdelay $0x3  }
0x33: {  	p0 =	seq.s32 s10, $0x1;
	s10 =	sld [smem:$0x3FB5];
	_ =	sdelay $0x3  }
0x34: {  	[smem:$0x3FB5] =	sst s10  }
0x35: {  	s10 =	sld [smem:$0x3FB4];
	_ =	sdelay $0x3  }
0x36: {  	p1 =	seq.s32 s10, $0x1;
	s10 =	sld [smem:$0x3FB5];
	_ =	sdelay $0x3  }
0x37: {  	[smem:$0x3FB5] =	sst s10  }
0x38: {  	s10 =	sld [smem:$0x3FB6]  }
0x39: {  	_ = 	snop;
	(pc) =	sbr.ind lr, $3  }
0x3a: {  	_ = 	snop  }
0x3b: {  	_ = 	snop  }
0x3c: {  	p2 =	seq.s32 s10, $0x1;
	s10 =	sld [smem:$0x3FB5]  }
0x3d: {  	_ =	shalt  }
0x3e: {  	_ =	shalt  }
0x3f: {  	_ =	shalt  }
0x40: {  	_ =	shalt  }
0x41: {  	_ =	shalt  }
0x42: {  	_ =	shalt  }
0x43: {  	_ =	shalt  }
0x44: {  	_ =	shalt  }
0x45: {  	_ =	shalt  }
0x46: {  	_ =	shalt  }
0x47: {  	_ =	shalt  }
0x48: {  	_ =	shalt  }
0x49: {  	_ =	shalt  }
0x4a: {  	_ =	shalt  }
0x4b: {  	_ =	shalt  }
0x4c: {  	_ =	shalt  }
0x4d: {  	_ =	shalt  }
0x4e: {  	_ =	shalt  }
0x4f: {  	_ =	shalt  }
0x50: {  	_ =	shalt  }
0x51: {  	_ =	shalt  }
0x52: {  	_ =	shalt  }
0x53: {  	_ =	shalt  }
0x54: {  	_ =	shalt  }
0x55: {  	_ =	shalt  }
0x56: {  	_ =	shalt  }
0x57: {  	_ =	shalt  }
0x58: {  	_ =	shalt  }
0x59: {  	_ =	shalt  }
0x5a: {  	_ =	shalt  }
0x5b: {  	_ =	shalt  }
0x5c: {  	_ =	shalt  }
0x5d: {  	_ =	shalt  }
0x5e: {  	_ =	shalt  }
0x5f: {  	_ =	shalt  }
0x60: {  	_ =	shalt  }
0x61: {  	_ =	shalt  }
0x62: {  	_ =	shalt  }
0x63: {  	_ =	shalt  }
0x64: {  	_ =	shalt  }
0x65: {  	_ =	shalt  }
0x66: {  	_ =	shalt  }
0x67: {  	_ =	shalt  }
0x68: {  	_ =	shalt  }
0x69: {  	_ =	shalt  }
0x6a: {  	_ =	shalt  }
0x6b: {  	_ =	shalt  }
0x6c: {  	_ =	shalt  }
0x6d: {  	_ =	shalt  }
0x6e: {  	_ =	shalt  }
0x6f: {  	_ =	shalt  }
0x70: {  	_ =	shalt  }
0x71: {  	_ =	shalt  }
0x72: {  	_ =	shalt  }
0x73: {  	_ =	shalt  }
0x74: {  	_ =	shalt  }
0x75: {  	_ =	shalt  }
0x76: {  	_ =	shalt  }
0x77: {  	_ =	shalt  }
0x78: {  	_ =	shalt  }
0x79: {  	_ =	shalt  }
0x7a: {  	_ =	shalt  }
0x7b: {  	_ =	shalt  }
0x7c: {  	_ =	shalt  }
0x7d: {  	_ =	shalt  }
0x7e: {  	_ =	shalt  }
0x7f: {  	_ =	shalt  }
0x80: {  	_ =	shalt  }
0x81: {  	_ =	shalt  }
0x82: {  	_ =	shalt  }
0x83: {  	_ =	shalt  }
0x84: {  	_ =	shalt  }
0x85: {  	_ =	shalt  }
0x86: {  	_ =	shalt  }
0x87: {  	_ =	shalt  }
.Lfunc_end0:
.L_simem_size_0:
called_computation.1_lowered:
.L_overlay_start_0:
0x88: {  	s2 =	sld [smem:$0x3FD9]  }
0x89: {  	s3 =	sld [smem:$0x3FFE];
	_ =	sdelay $0x1  }
0x8a: {  	s1 =	srdreg.scid  }
0x8b: {  	s0 =	sand.u32 $0x1, s1  }
0x8c: {  	s17 =	sshll.u32 s0, $0xA;
	s2 =	sadd.s32 s3, s2  }
0x8d: {  	s2 =	sadd.s32 s2, s17  }
0x8e: {  	[smem:$0x3FC1] =	sst s2  }
0x8f: {  	_ = 	snop  }
0x90: {  	s2 =	sld [smem:$0x3FD0];
	(tm) =	ssettm $0x1  }
0x91: {  	s18 =	sld [smem:$0x3FFB];
	_ =	sdelay $0x3  }
0x92: {  	_ =	strace s18  }
0x93: {  	s3 =	sld [smem:$0x3FFC];
	_ =	sdelay $0x3  }
0x94: {  	_ =	strace s3  }
0x95: {  	s3 =	sld [smem:$0x3FFD];
	_ =	sdelay $0x3  }
0x96: {  	_ =	strace s3  }
0x97: {  	_ =	strace $0x8FFFFFFF  }
0x98: {  	s19 =	sld [smem:$0x3FDB];
	_ =	sdelay $0x1  }
0x99: {  	s4 =	simm.s32 $_scs_section_size  }
0x9a: {  	s5 =	simm.s32 $_size__tile_overlayer_lowered;
	s6 =	simm.s32 $_tile_overlayer_lowered  }
0x9b: {  	s22 =	simm.s32 $0x1BFF;
	s21 =	sshll.u32 s6, $0x1;
	s3 =	sadd.s32 s4, s19  }
0x9c: {  	s7 =	simm.s32 $0x0;
	s20 =	sshll.u32 s5, $0x1;
	s5 =	sadd.s32 s21, s3  }
0x9d: {  	[timem:s7], [sflag:s22] =	dma.local [hbm:s5], s20  }
0x9e: {  	_ =	swait.ge [sflag:s22], s20  }
0x9f: {  	s4 =	ssub.s32 $0x0, s20;
	[sflag:s22] =	ssyncset.done $0x0  }
0xa0: {  	[sflag:s22] =	ssyncadd.s32 s4;
	_ =	sdelay $0x1  }
0xa1: {  	s23 =	simm.s32 $0x1B8B  }
0xa2: {  	_ =	swait.ge [sflag:s23], $0x1  }
0xa3: {  	[sflag:s23] =	ssyncset.done $0x0  }
0xa4: {  	s25 =	simm.s32 $0x1B8E;
	s24 =	sld [smem:$0x3FFE];
	[sflag:s23] =	ssyncadd.s32 $0xFFFFFFFF  }
0xa5: {  	s26 =	simm.s32 $execute0_lowered;
	[smem:$0x3FD2] =	sst s25  }
0xa6: {  	s5 =	sshll.u32 s26, $0x1;
	_ =	strace $0x80000046;
	[dreg:$0x1] =	wrdreg $0xFFFFFFFF  }
0xa7: {  	s28 =	simm.s32 $_size_execute0_lowered;
	s3 =	sadd.s32 s3, s5;
	[dreg:$0x0] =	wrdreg $0x0  }
0xa8: {  	s5 =	sshll.u32 s28, $0x1;
	[dreg:$0x2] =	wrdreg s3  }
0xa9: {  	[dreg:$0x3] =	wrdreg s5  }
0xaa: {  	[dreg:$0x4] =	wrdreg $0xC0  }
0xab: {  	_ =	task [dreg:s7], $0x5FFFF  }
0xac: {  	[dreg:$0x1] =	wrdreg $0xFFFFFFFF  }
0xad: {  	[dreg:$0x0] =	wrdreg $0x60  }
0xae: {  	[dreg:$0x2] =	wrdreg s2  }
0xaf: {  	[dreg:$0x3] =	wrdreg s24  }
0xb0: {  	[dreg:$0x4] =	wrdreg $0xB  }
0xb1: {  	_ =	task.clear_ibuf [dreg:s7], $0x5FFFF;
	_ =	strace $0x90000046  }
0xb2: {  	s29 =	simm.s32 $0xB;
	_ =	strace $0x80000048  }
0xb3: {  	_ =	swait.ge [sflag:s29], $0x1  }
0xb4: {  	[sflag:s29] =	ssyncadd.s32 $0xFFFFFFFF  }
0xb5: {  	_ =	strace $0x90000048  }
0xb6: {  	_ =	sfence  }
0xb7: {  	s30 =	sld [smem:$0x0];
	_ =	sdelay $0x2  }
0xb8: {  	s31 =	sshll.u32 s1, $0xD;
	s1 =	sshrl.u32 s1, $0x2  }
0xb9: {  	s3 =	sand.u32 $0x4000, s31;
	s1 =	sadd.s32 s1, s30  }
0xba: {  	s0 =	sor.u32 s3, s0;
	s1 =	sshll.u32 s1, $0x11  }
0xbb: {  	s0 =	sor.u32 s1, s0  }
0xbc: {  	s0 =	sadd.s32 $0x8F2B, s0  }
0xbd: {  	[sflag:s0] =	ssyncadd.remote.s32 $0x1  }
0xbe: {  	_ =	sfence.sel $0xFFFF  }
0xbf: {  	[dreg:$0x0] =	wrdreg $0xFFFFFFFF;
	(pc) =	sbr.abs _section_cstart, $3  }
0xc0: {  	[dreg:$0x1] =	wrdreg $0xFFFFFFFF  }
0xc1: {  	_ =	task.clear_ibuf [dreg:s7], $0x2FFFF;
	_ =	strace $0x9FFFFFFF  }
0xc2: {  	(tm) =	ssettm $0x7FFFFFFF  }
0xc3: {  	_ =	shalt  }
tec
execute0_lowered:
.L_overlay_start_1:
0x0: {  	(tag) =	ssettag $0x1  }
0x1: {  	s1 =	srdreg.scid;
	s2 =	rddreg [dreg:$0x0]  }
0x2: {  	s0 =	stileid.u32;
	s3 =	rddreg [dreg:$0x1]  }
0x3: {  	s6 =	simm.s32 $0x1;
	s9 =	simm.s32 $0x1;
	s1 =	sshll.u32 s1, $0x6  }
0x4: {  	s10 =	simm.s32 $0x3;
	s4 =	sshll.u32 s0, $0x7;
	s5 =	sand.u32 $0x40, s1  }
0x5: {  	s13 =	simm.s32 $0x0;
	s12 =	simm.s32 $0x0;
	s4 =	sor.u32 s4, s5  }
0x6: {  	s1 =	rddreg [dreg:$0x2];
	_ =	strace $0x80000047;
	s8 =	ssub.s32 $0x1000, s4  }
.Ltmp0:
0x7: {  	s5 =	sadd.s32 $0x600, s3;
	s7 =	sand.u32 $0x7C0, s8;
	(pc) =	sbr.rel .LBB2_1-.Ltmp0, $4  }
0x8: {  	[sflag:s6] =	ssyncpa.u1 $0x0;
	s11 =	smov.u32 s4;
	p0 =	sne.s32 s7, $0x0  }
0x9: {  	s8 =	sshrl.u32 s8, $0xB;
	s7 =	simm.s32 $0x2;
	s9 =	simm.s32 @!p0 $0x0  }
0xa: {  	[sflag:s7] =	ssyncpa.u1 $0x0;
	p0 =	por $0x0, $0x0;
	s8 =	sadd.s32 s9, s8  }
0xb: {  	vm0 =	vmmov $0xffff;
	[sflag:s10] =	ssyncpa.u1 $0x0;
	s10 =	simm.s32 $0x0;
	s9 =	sadd.s32 $0x1, s8  }
.LBB2_4:
0xc: {  	v2 =	vnsel vm1, $0x0, v2  }
0xd: {  	vm1 =	vgt.s32 v0, $0x0;
	v2 =	vmin.u32 v2, $0xFFF  }
0xe: {  	v0 =	vnsel vm1, $0x0, v0  }
0xf: {  	v0 =	vmin.u32 v0, $0xFFF  }
0x10: {  	[tilespmem:s15], [sflag:$0x1] =	stream.indirect_vreg.gather [hbm4b:s2+s10], $0x1, v1, vm0, $0x4038;
	[tilespmem:$0x100] =	vst v63  }
0x11: {  	(ifvalue) =	ssetifvalue $0x7FFFFFFF  }
0x12: {  	[tilespmem:s16], [sflag:$0x1] =	stream.indirect_vreg.gather [hbm4b:s2+s10], $0x1, v2, vm0, $0x4038;
	[tilespmem:$0x100] =	vst v63  }
0x13: {  	s29 =	sadd.s32 $0x10, s16;
	(ifvalue) =	ssetifvalue $0x7FFFFFFF  }
0x14: {  	[tilespmem:s29], [sflag:$0x1] =	stream.indirect_vreg.gather [hbm4b:s2+s10], $0x1, v0, vm0, $0x4038;
	[tilespmem:$0x100] =	vst v63  }
0x15: {  	_ =	swait.ge [sflag:s6], $0x40  }
0x16: {  	s30 =	sshrl.u32 s13, $0x3;
	[sflag:s6] =	ssyncset.done $0x0  }
0x17: {  	s31 =	sand.u32 $0x7, s13;
	s15 =	sadd.s32 s5, s30;
	[sflag:s6] =	ssyncadd.s32 $0xFFFFFFC0  }
0x18: {  	[hbm4b:s15+s31] =	stream.linear.scatter [tilespmem:s14], [sflag:$0x3], $0x40, $0x38;
	[tilespmem:$0x100] =	vst v63  }
.LBB2_5:
0x19: {  	s15 =	sadd.s32 $0x800, s11  }
0x1a: {  	p2 =	sgt.s32 s15, $0xFFF  }
0x1b: {  	s15 =	smov.u32 @p2 s4;
	p2 =	sne.s32 s12, s9  }
.Ltmp1:
0x1c: {  	p1 =	slt.u32 s12, $0x2;
	(pc) =	sbr.rel @!p2 .LBB2_6-.Ltmp1, $4  }
0x1d: {  	s14 =	simm.s32 @!p1 $0x3  }
0x1e: {  	s16 =	sadd.s32 $0x1, s12;
	_ =	swait.ge @!p1 [sflag:s14], $0x40  }
0x1f: {  	s13 =	smov.u32 s11;
	p0 =	por !p0, !p0;
	[sflag:s14] =	ssyncset.done @!p1 $0x0  }
0x20: {  	s12 =	smov.u32 s16;
	s11 =	smov.u32 s15;
	[sflag:s14] =	ssyncadd.s32 @!p1 $0xFFFFFFC0  }
.LBB2_1:
0x21: {  	p1 =	sge.u32 s12, s8  }
0x22: {  	s14 =	sxor.u32 @!p1 $0xFFFFFFFF, s12  }
0x23: {  	s31 =	sadd.s32 $0xFFFFFFFF, s12;
	s15 =	sshrl.u32 @!p1 s11, $0x3;
	s14 =	sshll.u32 @!p1 s14, $0x6  }
0x24: {  	s16 =	sand.u32 @!p1 $0x7, s11;
	s15 =	sadd.s32 @!p1 s3, s15;
	s14 =	sand.u32 @!p1 $0x40, s14  }
0x25: {  	[tilespmem:s14], [sflag:$0x2] =	stream.linear.gather @!p1 [hbm4b:s15+s16], $0x40, $0x38;
	[tilespmem:$0x100] =	vst v63  }
0x26: {  	p1 =	sge.u32 s31, s8  }
.Ltmp2:
0x27: {  	_ = 	snop;
	(pc) =	sbr.rel @p1 .LBB2_5-.Ltmp2, $1  }
0x28: {  	_ =	sdelay $0x3  }
0x29: {  	s14 =	simm.s32 $0x1  }
0x2a: {  	_ =	swait.ge [sflag:s7], $0x40;
	s14 =	simm.s32 @!p0 $0x0  }
0x2b: {  	[sflag:s7] =	ssyncset.done $0x0;
	s14 =	sshll.u32 s14, $0x6  }
0x2c: {  	[sflag:s7] =	ssyncadd.s32 $0xFFFFFFC0;
	(ifvalue) =	ssetifvalue $0x7FFFFFFF;
	v0 =	vld.msk [tilespmem:s14+$0x0 ss:$0x1], $0xffff;
	_ =	sdelay $0x4  }
0x2d: {  	s15 =	sadd.s32 $0x10, s14;
	vm1 =	vgt.s32 v0, $0x0  }
0x2e: {  	v2 =	vld.msk [tilespmem:s15+$0x0 ss:$0x1], $0xffff;
	v1 =	vnsel vm1, $0x0, v0  }
0x2f: {  	v1 =	vmin.u32 v1, $0xFFF;
	_ =	sdelay $0x1  }
0x30: {  	s16 =	sshll.u32 s12, $0x6;
	s18 =	simm.s32 $0x20  }
0x31: {  	s16 =	sand.u32 $0x40, s16;
	s17 =	sadd.s32 $0x10, s15;
	s15 =	sor.u32 $0x80, s14  }
0x32: {  	s14 =	sor.u32 $0x80, s16;
	s16 =	sadd.s32 $0x10, s15;
	v0 =	vld.msk [tilespmem:s17+$0x0 ss:$0x1], $0xffff;
	vm1 =	vgt.s32 v2, $0x0;
	(ifvalue) =	ssetifvalue $0x7FFFFFFF  }
.LBB2_3:
0x33: {  	[tilespmem:s15], [sflag:$0x1] =	stream.indirect_vreg.gather [hbm4b:s2+s10], $0x1, v1, vm0, $0x4038;
	[tilespmem:$0x100] =	vst v63  }
0x34: {  	s18 =	sadd.s32 $0x10, s18  }
0x35: {  	v2 =	vnsel vm1, $0x0, v2;
	p1 =	slt.u32 s18, $0x30  }
.Ltmp3:
0x36: {  	s15 =	smov.u32 s16;
	v1 =	vmin.u32 v2, $0xFFF;
	(pc) =	sbr.rel @p1 .LBB2_3-.Ltmp3, $3  }
0x37: {  	_ =	sdelay $0x1  }
0x38: {  	s17 =	sadd.s32 $0x10, s17  }
0x39: {  	vm1 =	vgt.s32 v0, $0x0;
	s16 =	sadd.s32 $0x10, s16;
	v2 =	vmov v0;
	(ifvalue) =	ssetifvalue $0x7FFFFFFF;
	v0 =	vld.msk [tilespmem:s17+$0x0 ss:$0x1], $0xffff  }
.Ltmp4:
0x3a: {  	_ = 	snop;
	(pc) =	sbr.rel .LBB2_4-.Ltmp4, $1  }
0x3b: {  	_ =	sdelay $0x3  }
.LBB2_6:
0x3c: {  	_ =	sfence.sel $0x180000  }
0x3d: {  	s2 =	simm.s32 $0x2;
	[bflag:$0x0] =	sbarrier.arrive $0xFFFF  }
0x3e: {  	s30 =	simm.s32 $0x3;
	[sflag:s2] =	ssyncpa.u1 $0x1  }
0x3f: {  	s31 =	simm.s32 $0x1;
	[sflag:s30] =	ssyncpa.u1 $0x1  }
0x40: {  	[sflag:s31] =	ssyncpa.u1 $0x1  }
0x41: {  	p0 =	sne.s32 s0, $0x0;
	_ =	strace $0x90000047  }
0x42: {  	s0 =	sadd.s32 @!p0 $0x100000, s1;
	[bflag:$0x2] =	sbarrier.arrive $0xFFFF  }
0x43: {  	[sflag:s0] =	ssyncadd.tile.s32 @!p0 $0x1;
	_ =	shalt  }
.Lfunc_end2:
_tile_overlayer_lowered:
.L_overlay_start_2:
0x44: {  	(tag) =	ssettag $0x2  }
0x45: {  	s0 =	rddreg [dreg:$0x0];
	s2 =	stileid.u32  }
0x46: {  	s1 =	rddreg [dreg:$0x1];
	p0 =	sne.s32 s2, $0x0  }
0x47: {  	s3 =	rddreg [dreg:$0x2];
	[bflag:$0x3] =	sbarrier.arrive $0xFFFF;
	s2 =	simm.s32 @!p0 $0x1C01  }
0x48: {  	[timem:s3], [sflag:s2] =	dma.local @!p0 [hbm:s0], s1  }
0x49: {  	s0 =	simm.s32 @!p0 $0x1  }
0x4a: {  	_ =	swait.ge @!p0 [sflag:s0], s1  }
0x4b: {  	s1 =	ssub.s32 @!p0 $0x0, s1;
	[sflag:s0] =	ssyncset.done @!p0 $0x0  }
0x4c: {  	[sflag:s0] =	ssyncadd.s32 @!p0 s1  }
0x4d: {  	[bflag:$0x3] =	sbarrier.arrive $0xFFFF  }
0x4e: {  	_ =	shalt  }

// kernel: sc_combine_rows.3.cloned.1.call-start
scs
__scs_entry_jumppad:
0x0: {  	(pc) =	sbr.rel $0x88, $3  }
0x1: {  	(tag) =	ssettag $0x0;
	lr =	simm.s32 $0x1  }
0x2: {  	[smem:$0x3F9A] =	sst lr;
	_ =	strace $0xD0000000  }
0x3: {  	_ = 	snop  }
0x4: {  	_ = 	snop  }
0x5: {  	_ = 	snop  }
0x6: {  	_ = 	snop  }
0x7: {  	_ = 	snop  }
__scs_overlays_trampoline_lowered:
0x8: {  	[smem:$0x3FA9] =	sst s0  }
0x9: {  	[smem:$0x3FAA] =	sst s1  }
0xa: {  	[smem:$0x3FAB] =	sst s2  }
0xb: {  	[smem:$0x3FAC] =	sst s3  }
0xc: {  	[smem:$0x3FAD] =	sst s4  }
0xd: {  	[smem:$0x3FAE] =	sst s5  }
0xe: {  	[smem:$0x3FAF] =	sst s6  }
0xf: {  	[smem:$0x3FB0] =	sst s7  }
0x10: {  	[smem:$0x3FB1] =	sst s8  }
0x11: {  	[smem:$0x3FB2] =	sst s9;
	s0 =	simm.s32 @!p0 $0x0  }
0x12: {  	s1 =	sld [smem:$0x3F98];
	s0 =	simm.s32 @p0 $0x1  }
0x13: {  	[smem:$0x3FB3] =	sst s0;
	s0 =	simm.s32 @!p1 $0x0  }
0x14: {  	s2 =	sld [smem:$0x3F97];
	s0 =	simm.s32 @p1 $0x1  }
0x15: {  	[smem:$0x3FB4] =	sst s0;
	s0 =	simm.s32 @!p2 $0x0  }
0x16: {  	s3 =	sld [smem:$0x3FDB];
	s0 =	simm.s32 @p2 $0x1  }
0x17: {  	s4 =	simm.s32 $0x1BF5;
	[smem:$0x3FB6] =	sst s0  }
0x18: {  	s0 =	sld [smem:$0x3F99];
	_ =	swait.ge [sflag:s4], $0x0  }
0x19: {  	s7 =	sld [smem:$0x3F9A]  }
0x1a: {  	s8 =	sadd.s32 $0xFFFFE003, lr  }
0x1b: {  	s9 =	sadd.s32 $0xFFFFFEF7, lr;
	s5 =	simm.s32 $0xFFFFFFFF;
	p2 =	slt.u32 s8, $0xFFFFF086  }
0x1c: {  	p1 =	slt.u32 s9, $0xF7A;
	s5 =	simm.s32 @!p2 $0x0  }
0x1d: {  	s5 =	simm.s32 @p1 $0x1;
	p0 =	seq.s32 s7, s2  }
0x1e: {  	s7 =	smul.u32 @!p0 $0xF7A, s2;
	p2 =	seq.s32 @!p0 s5, $0x0  }
0x1f: {  	s9 =	smul.u32 $0xF7A, s1;
	s8 =	simm.s32 @!p0 $0x1BF5;
	p2 =	por !p2, p0  }
0x20: {  	[sflag:s8] =	ssyncset.s32 @!p0 $0xFFFFF086;
	s6 =	sadd.s32 @!p0 s3, s7;
	s7 =	simm.s32 @!p0 $0x108  }
0x21: {  	s3 =	sadd.s32 s3, s9;
	s6 =	sadd.s32 @!p0 $0x88, s6;
	s7 =	simm.s32 @p2 $0x1082  }
0x22: {  	[simem:s7], [sflag:s8] =	dma.local @!p0 [hbm:s6], $0xF7A  }
0x23: {  	s9 =	sor.u32 $0xD0000000, s2;
	s6 =	simm.s32 $0x108;
	_ =	swait.ge @!p0 [sflag:s8], $0x0  }
0x24: {  	s3 =	sadd.s32 $0x88, s3;
	s6 =	simm.s32 @!p1 $0x1082;
	[sflag:s4] =	ssyncset.s32 $0xFFFFF086  }
0x25: {  	[simem:s6], [sflag:s4] =	dma.local [hbm:s3], $0xF7A  }
0x26: {  	[smem:$0x3F9A] =	sst s1;
	(tag) =	ssettag s2;
	_ =	strace s9  }
0x27: {  	s1 =	sld [smem:$0x3FAA]  }
0x28: {  	s2 =	sld [smem:$0x3FAB]  }
0x29: {  	s4 =	sld [smem:$0x3FAD]  }
0x2a: {  	p0 =	seq.s32 s5, $0x0;
	s5 =	sld [smem:$0x3FAE]  }
0x2b: {  	s6 =	sld [smem:$0x3FAF]  }
0x2c: {  	s7 =	sld [smem:$0x3FB0]  }
0x2d: {  	s3 =	simm.s32 $0x108;
	s8 =	sld [smem:$0x3FB1]  }
0x2e: {  	s3 =	simm.s32 @!p0 $0x1082;
	s9 =	sld [smem:$0x3FB2]  }
0x2f: {  	lr =	sadd.s32 s0, s3;
	s0 =	sld [smem:$0x3FA9]  }
0x30: {  	s3 =	sld [smem:$0x3FAC]  }
0x31: {  	[smem:$0x3FB5] =	sst s10  }
0x32: {  	s10 =	sld [smem:$0x3FB3];
	_ =	sdelay $0x3  }
0x33: {  	p0 =	seq.s32 s10, $0x1;
	s10 =	sld [smem:$0x3FB5];
	_ =	sdelay $0x3  }
0x34: {  	[smem:$0x3FB5] =	sst s10  }
0x35: {  	s10 =	sld [smem:$0x3FB4];
	_ =	sdelay $0x3  }
0x36: {  	p1 =	seq.s32 s10, $0x1;
	s10 =	sld [smem:$0x3FB5];
	_ =	sdelay $0x3  }
0x37: {  	[smem:$0x3FB5] =	sst s10  }
0x38: {  	s10 =	sld [smem:$0x3FB6]  }
0x39: {  	_ = 	snop;
	(pc) =	sbr.ind lr, $3  }
0x3a: {  	_ = 	snop  }
0x3b: {  	_ = 	snop  }
0x3c: {  	p2 =	seq.s32 s10, $0x1;
	s10 =	sld [smem:$0x3FB5]  }
0x3d: {  	_ =	shalt  }
0x3e: {  	_ =	shalt  }
0x3f: {  	_ =	shalt  }
0x40: {  	_ =	shalt  }
0x41: {  	_ =	shalt  }
0x42: {  	_ =	shalt  }
0x43: {  	_ =	shalt  }
0x44: {  	_ =	shalt  }
0x45: {  	_ =	shalt  }
0x46: {  	_ =	shalt  }
0x47: {  	_ =	shalt  }
0x48: {  	_ =	shalt  }
0x49: {  	_ =	shalt  }
0x4a: {  	_ =	shalt  }
0x4b: {  	_ =	shalt  }
0x4c: {  	_ =	shalt  }
0x4d: {  	_ =	shalt  }
0x4e: {  	_ =	shalt  }
0x4f: {  	_ =	shalt  }
0x50: {  	_ =	shalt  }
0x51: {  	_ =	shalt  }
0x52: {  	_ =	shalt  }
0x53: {  	_ =	shalt  }
0x54: {  	_ =	shalt  }
0x55: {  	_ =	shalt  }
0x56: {  	_ =	shalt  }
0x57: {  	_ =	shalt  }
0x58: {  	_ =	shalt  }
0x59: {  	_ =	shalt  }
0x5a: {  	_ =	shalt  }
0x5b: {  	_ =	shalt  }
0x5c: {  	_ =	shalt  }
0x5d: {  	_ =	shalt  }
0x5e: {  	_ =	shalt  }
0x5f: {  	_ =	shalt  }
0x60: {  	_ =	shalt  }
0x61: {  	_ =	shalt  }
0x62: {  	_ =	shalt  }
0x63: {  	_ =	shalt  }
0x64: {  	_ =	shalt  }
0x65: {  	_ =	shalt  }
0x66: {  	_ =	shalt  }
0x67: {  	_ =	shalt  }
0x68: {  	_ =	shalt  }
0x69: {  	_ =	shalt  }
0x6a: {  	_ =	shalt  }
0x6b: {  	_ =	shalt  }
0x6c: {  	_ =	shalt  }
0x6d: {  	_ =	shalt  }
0x6e: {  	_ =	shalt  }
0x6f: {  	_ =	shalt  }
0x70: {  	_ =	shalt  }
0x71: {  	_ =	shalt  }
0x72: {  	_ =	shalt  }
0x73: {  	_ =	shalt  }
0x74: {  	_ =	shalt  }
0x75: {  	_ =	shalt  }
0x76: {  	_ =	shalt  }
0x77: {  	_ =	shalt  }
0x78: {  	_ =	shalt  }
0x79: {  	_ =	shalt  }
0x7a: {  	_ =	shalt  }
0x7b: {  	_ =	shalt  }
0x7c: {  	_ =	shalt  }
0x7d: {  	_ =	shalt  }
0x7e: {  	_ =	shalt  }
0x7f: {  	_ =	shalt  }
0x80: {  	_ =	shalt  }
0x81: {  	_ =	shalt  }
0x82: {  	_ =	shalt  }
0x83: {  	_ =	shalt  }
0x84: {  	_ =	shalt  }
0x85: {  	_ =	shalt  }
0x86: {  	_ =	shalt  }
0x87: {  	_ =	shalt  }
.Lfunc_end0:
.L_simem_size_0:
called_computation.5_lowered:
.L_overlay_start_0:
0x88: {  	s2 =	sld [smem:$0x3FD9]  }
0x89: {  	s3 =	sld [smem:$0x3FFE];
	_ =	sdelay $0x1  }
0x8a: {  	s1 =	srdreg.scid  }
0x8b: {  	s0 =	sand.u32 $0x1, s1  }
0x8c: {  	s17 =	sshll.u32 s0, $0xA;
	s2 =	sadd.s32 s3, s2  }
0x8d: {  	s2 =	sadd.s32 s2, s17  }
0x8e: {  	[smem:$0x3FC1] =	sst s2  }
0x8f: {  	_ = 	snop  }
0x90: {  	s2 =	sld [smem:$0x3FD0];
	(tm) =	ssettm $0x1  }
0x91: {  	s18 =	sld [smem:$0x3FFB];
	_ =	sdelay $0x3  }
0x92: {  	_ =	strace s18  }
0x93: {  	s3 =	sld [smem:$0x3FFC];
	_ =	sdelay $0x3  }
0x94: {  	_ =	strace s3  }
0x95: {  	s3 =	sld [smem:$0x3FFD];
	_ =	sdelay $0x3  }
0x96: {  	_ =	strace s3  }
0x97: {  	_ =	strace $0x8FFFFFFF  }
0x98: {  	s19 =	sld [smem:$0x3FDB];
	_ =	sdelay $0x1  }
0x99: {  	s4 =	simm.s32 $_scs_section_size  }
0x9a: {  	s5 =	simm.s32 $_size__tile_overlayer_lowered;
	s6 =	simm.s32 $_tile_overlayer_lowered  }
0x9b: {  	s22 =	simm.s32 $0x1BFF;
	s21 =	sshll.u32 s6, $0x1;
	s3 =	sadd.s32 s4, s19  }
0x9c: {  	s7 =	simm.s32 $0x0;
	s20 =	sshll.u32 s5, $0x1;
	s5 =	sadd.s32 s21, s3  }
0x9d: {  	[timem:s7], [sflag:s22] =	dma.local [hbm:s5], s20  }
0x9e: {  	_ =	swait.ge [sflag:s22], s20  }
0x9f: {  	s4 =	ssub.s32 $0x0, s20;
	[sflag:s22] =	ssyncset.done $0x0  }
0xa0: {  	[sflag:s22] =	ssyncadd.s32 s4;
	_ =	sdelay $0x1  }
0xa1: {  	s23 =	simm.s32 $0x1B8B  }
0xa2: {  	_ =	swait.ge [sflag:s23], $0x1  }
0xa3: {  	[sflag:s23] =	ssyncset.done $0x0  }
0xa4: {  	s25 =	simm.s32 $0x1B8E;
	s24 =	sld [smem:$0x3FFE];
	[sflag:s23] =	ssyncadd.s32 $0xFFFFFFFF  }
0xa5: {  	s26 =	simm.s32 $execute0_lowered;
	[smem:$0x3FD2] =	sst s25  }
0xa6: {  	s5 =	sshll.u32 s26, $0x1;
	_ =	strace $0x80000055;
	[dreg:$0x1] =	wrdreg $0xFFFFFFFF  }
0xa7: {  	s28 =	simm.s32 $_size_execute0_lowered;
	s3 =	sadd.s32 s3, s5;
	[dreg:$0x0] =	wrdreg $0x0  }
0xa8: {  	s5 =	sshll.u32 s28, $0x1;
	[dreg:$0x2] =	wrdreg s3  }
0xa9: {  	[dreg:$0x3] =	wrdreg s5  }
0xaa: {  	[dreg:$0x4] =	wrdreg $0xC0  }
0xab: {  	_ =	task [dreg:s7], $0x5FFFF  }
0xac: {  	[dreg:$0x1] =	wrdreg $0xFFFFFFFF  }
0xad: {  	[dreg:$0x0] =	wrdreg $0x60  }
0xae: {  	[dreg:$0x2] =	wrdreg s24  }
0xaf: {  	[dreg:$0x3] =	wrdreg s2  }
0xb0: {  	[dreg:$0x4] =	wrdreg $0x9  }
0xb1: {  	_ =	task.clear_ibuf [dreg:s7], $0x5FFFF;
	_ =	strace $0x90000055  }
0xb2: {  	s29 =	simm.s32 $0x9;
	_ =	strace $0x80000057  }
0xb3: {  	_ =	swait.ge [sflag:s29], $0x1  }
0xb4: {  	[sflag:s29] =	ssyncadd.s32 $0xFFFFFFFF  }
0xb5: {  	_ =	strace $0x90000057  }
0xb6: {  	_ =	sfence  }
0xb7: {  	s30 =	sld [smem:$0x0];
	_ =	sdelay $0x2  }
0xb8: {  	s31 =	sshll.u32 s1, $0xD;
	s1 =	sshrl.u32 s1, $0x2  }
0xb9: {  	s3 =	sand.u32 $0x4000, s31;
	s1 =	sadd.s32 s1, s30  }
0xba: {  	s0 =	sor.u32 s3, s0;
	s1 =	sshll.u32 s1, $0x11  }
0xbb: {  	s0 =	sor.u32 s1, s0  }
0xbc: {  	s0 =	sadd.s32 $0x8F2B, s0  }
0xbd: {  	[sflag:s0] =	ssyncadd.remote.s32 $0x1  }
0xbe: {  	_ =	sfence.sel $0xFFFF  }
0xbf: {  	[dreg:$0x0] =	wrdreg $0xFFFFFFFF;
	(pc) =	sbr.abs _section_cstart, $3  }
0xc0: {  	[dreg:$0x1] =	wrdreg $0xFFFFFFFF  }
0xc1: {  	_ =	task.clear_ibuf [dreg:s7], $0x2FFFF;
	_ =	strace $0x9FFFFFFF  }
0xc2: {  	(tm) =	ssettm $0x7FFFFFFF  }
0xc3: {  	_ =	shalt  }
tec
execute0_lowered:
.L_overlay_start_1:
0x0: {  	(tag) =	ssettag $0x1  }
0x1: {  	s2 =	rddreg [dreg:$0x0]  }
0x2: {  	s0 =	rddreg [dreg:$0x1]  }
0x3: {  	s1 =	srdreg.scid;
	s4 =	stileid.u32;
	s3 =	simm.s32 $0x0  }
0x4: {  	s10 =	simm.s32 $0x2;
	s12 =	simm.s32 $0x100;
	s15 =	simm.s32 $0x1  }
0x5: {  	s29 =	simm.s32 $0x12100;
	s30 =	simm.s32 $0x12900;
	s31 =	simm.s32 $0x13100  }
0x6: {  	s11 =	simm.s32 $0x14900;
	s13 =	simm.s32 $0x15100;
	s14 =	simm.s32 $0x15900  }
0x7: {  	s16 =	simm.s32 $0x16100;
	s17 =	simm.s32 $0x16900;
	s18 =	simm.s32 $0x17100  }
0x8: {  	s19 =	simm.s32 $0x17900;
	s20 =	simm.s32 $0x0;
	s1 =	sand.u32 $0x1, s1  }
0x9: {  	s4 =	sshll.u32 s4, $0x4;
	[smem:$0x7FF] =	sst s3;
	s5 =	sshll.u32 s1, $0x3  }
0xa: {  	s7 =	sadd.s32 $0x200, s2;
	s1 =	ssub.s32 $0x2, s1;
	s5 =	sor.u32 s5, s4  }
0xb: {  	_ =	strace $0x80000056;
	s28 =	sshrl.u32 s1, $0x1;
	s6 =	sadd.s32 s5, s2  }
0xc: {  	v2 =	vlaneseq.u32;
	s1 =	ssub.s32 s1, s28;
	s8 =	smul.u32 $0x300, s5;
	s4 =	sadd.s32 $0x180A00, s6  }
0xd: {  	vm0 =	vmmov $0xffff;
	v1 =	vshrl.u32 v2, $0x3;
	s5 =	sadd.s32 $0x180800, s6;
	s6 =	sadd.s32 $0x100, s2;
	s9 =	smax.u32 s1, $0x1  }
0xe: {  	v0 =	vand.u32 $0x7, v2;
	v2 =	vor.u32 $0x8, v2;
	v1 =	vmul.u32 $0x8, v1;
	s1 =	simm.s32 $0x14100;
	s8 =	sadd.s32 s0, s8;
	s0 =	simm.s32 $0x13900  }
.LBB2_1:
0xf: {  	[tilespmem:s3], [sflag:$0x2] =	stream.linear.gather [hbm4b:s4+s3], $0x40, $0x38;
	[tilespmem:$0x18100] =	vst v63  }
0x10: {  	_ =	swait.ge [sflag:s10], $0x40  }
0x11: {  	[sflag:s10] =	ssyncset.done $0x0  }
0x12: {  	s21 =	simm.s32 $0x80;
	[sflag:s10] =	ssyncadd.s32 $0xFFFFFFC0  }
0x13: {  	[tilespmem:s21], [sflag:$0x2] =	stream.linear.gather [hbm4b:s5+s3], $0x40, $0x38;
	[tilespmem:$0x18100] =	vst v63  }
0x14: {  	_ =	swait.ge [sflag:s10], $0x40  }
0x15: {  	[sflag:s10] =	ssyncset.done $0x0  }
0x16: {  	[sflag:s10] =	ssyncadd.s32 $0xFFFFFFC0  }
0x17: {  	v3 =	vld [tilespmem:$0x0];
	_ =	sdelay $0x4  }
0x18: {  	v4 =	vshrl.u32 v3, $0x3  }
0x19: {  	v4 =	vmul.u32 $0x30, v4  }
0x1a: {  	v3 =	vand.u32 $0x7, v3  }
0x1b: {  	v3 =	vor.u32 v3, v4  }
0x1c: {  	v4 =	vperm.xlane v3, v0;
	_ =	sdelay $0x1  }
0x1d: {  	v4 =	vadd.s32 v1, v4;
	_ =	sdelay $0x3  }
0x1e: {  	v3 =	vperm.xlane v3, v2  }
0x1f: {  	[tilespmem:s12], [sflag:$0x1] =	stream.indirect_vreg.gather [hbm4b:s2+s3], $0x80, v4, vm0, $0xb8;
	[tilespmem:$0x18100] =	vst v63  }
0x20: {  	s23 =	simm.s32 $0x900;
	v3 =	vadd.s32 v1, v3  }
0x21: {  	[tilespmem:s23], [sflag:$0x1] =	stream.indirect_vreg.gather [hbm4b:s6+s3], $0x80, v4, vm0, $0xb8;
	[tilespmem:$0x18100] =	vst v63  }
0x22: {  	s24 =	simm.s32 $0x1100  }
0x23: {  	[tilespmem:s24], [sflag:$0x1] =	stream.indirect_vreg.gather [hbm4b:s7+s3], $0x80, v4, vm0, $0xb8;
	[tilespmem:$0x18100] =	vst v63  }
0x24: {  	s25 =	simm.s32 $0x1900  }
0x25: {  	[tilespmem:s25], [sflag:$0x1] =	stream.indirect_vreg.gather [hbm4b:s2+s3], $0x80, v3, vm0, $0xb8;
	[tilespmem:$0x18100] =	vst v63  }
0x26: {  	s26 =	simm.s32 $0x2100  }
0x27: {  	[tilespmem:s26], [sflag:$0x1] =	stream.indirect_vreg.gather [hbm4b:s6+s3], $0x80, v3, vm0, $0xb8;
	[tilespmem:$0x18100] =	vst v63  }
0x28: {  	s28 =	simm.s32 $0x2900  }
0x29: {  	[tilespmem:s28], [sflag:$0x1] =	stream.indirect_vreg.gather [hbm4b:s7+s3], $0x80, v3, vm0, $0xb8;
	[tilespmem:$0x18100] =	vst v63  }
0x2a: {  	v3 =	vld [tilespmem:$0x10];
	_ =	sdelay $0x4  }
0x2b: {  	v57 =	vshrl.u32 v3, $0x3  }
0x2c: {  	v4 =	vmul.u32 $0x30, v57  }
0x2d: {  	v3 =	vand.u32 $0x7, v3  }
0x2e: {  	v3 =	vor.u32 v3, v4  }
0x2f: {  	v4 =	vperm.xlane v3, v0;
	_ =	sdelay $0x1  }
0x30: {  	v4 =	vadd.s32 v1, v4;
	_ =	sdelay $0x3  }
0x31: {  	s22 =	simm.s32 $0x3100;
	v3 =	vperm.xlane v3, v2  }
0x32: {  	[tilespmem:s22], [sflag:$0x1] =	stream.indirect_vreg.gather [hbm4b:s2+s3], $0x80, v4, vm0, $0xb8;
	[tilespmem:$0x18100] =	vst v63  }
0x33: {  	s23 =	simm.s32 $0x3900;
	v3 =	vadd.s32 v1, v3  }
0x34: {  	[tilespmem:s23], [sflag:$0x1] =	stream.indirect_vreg.gather [hbm4b:s6+s3], $0x80, v4, vm0, $0xb8;
	[tilespmem:$0x18100] =	vst v63  }
0x35: {  	s24 =	simm.s32 $0x4100  }
0x36: {  	[tilespmem:s24], [sflag:$0x1] =	stream.indirect_vreg.gather [hbm4b:s7+s3], $0x80, v4, vm0, $0xb8;
	[tilespmem:$0x18100] =	vst v63  }
0x37: {  	s25 =	simm.s32 $0x4900  }
0x38: {  	[tilespmem:s25], [sflag:$0x1] =	stream.indirect_vreg.gather [hbm4b:s2+s3], $0x80, v3, vm0, $0xb8;
	[tilespmem:$0x18100] =	vst v63  }
0x39: {  	s26 =	simm.s32 $0x5100  }
0x3a: {  	[tilespmem:s26], [sflag:$0x1] =	stream.indirect_vreg.gather [hbm4b:s6+s3], $0x80, v3, vm0, $0xb8;
	[tilespmem:$0x18100] =	vst v63  }
0x3b: {  	s28 =	simm.s32 $0x5900  }
0x3c: {  	[tilespmem:s28], [sflag:$0x1] =	stream.indirect_vreg.gather [hbm4b:s7+s3], $0x80, v3, vm0, $0xb8;
	[tilespmem:$0x18100] =	vst v63  }
0x3d: {  	v3 =	vld [tilespmem:$0x20];
	_ =	sdelay $0x4  }
0x3e: {  	v58 =	vshrl.u32 v3, $0x3  }
0x3f: {  	v4 =	vmul.u32 $0x30, v58  }
0x40: {  	v3 =	vand.u32 $0x7, v3  }
0x41: {  	v3 =	vor.u32 v3, v4  }
0x42: {  	v4 =	vperm.xlane v3, v0;
	_ =	sdelay $0x1  }
0x43: {  	v4 =	vadd.s32 v1, v4;
	_ =	sdelay $0x3  }
0x44: {  	s22 =	simm.s32 $0x6100;
	v3 =	vperm.xlane v3, v2  }
0x45: {  	[tilespmem:s22], [sflag:$0x1] =	stream.indirect_vreg.gather [hbm4b:s2+s3], $0x80, v4, vm0, $0xb8;
	[tilespmem:$0x18100] =	vst v63  }
0x46: {  	s23 =	simm.s32 $0x6900;
	v3 =	vadd.s32 v1, v3  }
0x47: {  	[tilespmem:s23], [sflag:$0x1] =	stream.indirect_vreg.gather [hbm4b:s6+s3], $0x80, v4, vm0, $0xb8;
	[tilespmem:$0x18100] =	vst v63  }
0x48: {  	s24 =	simm.s32 $0x7100  }
0x49: {  	[tilespmem:s24], [sflag:$0x1] =	stream.indirect_vreg.gather [hbm4b:s7+s3], $0x80, v4, vm0, $0xb8;
	[tilespmem:$0x18100] =	vst v63  }
0x4a: {  	s25 =	simm.s32 $0x7900  }
0x4b: {  	[tilespmem:s25], [sflag:$0x1] =	stream.indirect_vreg.gather [hbm4b:s2+s3], $0x80, v3, vm0, $0xb8;
	[tilespmem:$0x18100] =	vst v63  }
0x4c: {  	s26 =	simm.s32 $0x8100  }
0x4d: {  	[tilespmem:s26], [sflag:$0x1] =	stream.indirect_vreg.gather [hbm4b:s6+s3], $0x80, v3, vm0, $0xb8;
	[tilespmem:$0x18100] =	vst v63  }
0x4e: {  	s28 =	simm.s32 $0x8900  }
0x4f: {  	[tilespmem:s28], [sflag:$0x1] =	stream.indirect_vreg.gather [hbm4b:s7+s3], $0x80, v3, vm0, $0xb8;
	[tilespmem:$0x18100] =	vst v63  }
0x50: {  	v3 =	vld [tilespmem:$0x30];
	_ =	sdelay $0x4  }
0x51: {  	v59 =	vshrl.u32 v3, $0x3  }
0x52: {  	v4 =	vmul.u32 $0x30, v59  }
0x53: {  	v3 =	vand.u32 $0x7, v3  }
0x54: {  	v3 =	vor.u32 v3, v4  }
0x55: {  	v4 =	vperm.xlane v3, v0;
	_ =	sdelay $0x1  }
0x56: {  	v4 =	vadd.s32 v1, v4;
	_ =	sdelay $0x3  }
0x57: {  	s22 =	simm.s32 $0x9100;
	v3 =	vperm.xlane v3, v2  }
0x58: {  	[tilespmem:s22], [sflag:$0x1] =	stream.indirect_vreg.gather [hbm4b:s2+s3], $0x80, v4, vm0, $0xb8;
	[tilespmem:$0x18100] =	vst v63  }
0x59: {  	s23 =	simm.s32 $0x9900;
	v3 =	vadd.s32 v1, v3  }
0x5a: {  	[tilespmem:s23], [sflag:$0x1] =	stream.indirect_vreg.gather [hbm4b:s6+s3], $0x80, v4, vm0, $0xb8;
	[tilespmem:$0x18100] =	vst v63  }
0x5b: {  	s24 =	simm.s32 $0xA100  }
0x5c: {  	[tilespmem:s24], [sflag:$0x1] =	stream.indirect_vreg.gather [hbm4b:s7+s3], $0x80, v4, vm0, $0xb8;
	[tilespmem:$0x18100] =	vst v63  }
0x5d: {  	s25 =	simm.s32 $0xA900  }
0x5e: {  	[tilespmem:s25], [sflag:$0x1] =	stream.indirect_vreg.gather [hbm4b:s2+s3], $0x80, v3, vm0, $0xb8;
	[tilespmem:$0x18100] =	vst v63  }
0x5f: {  	s26 =	simm.s32 $0xB100  }
0x60: {  	[tilespmem:s26], [sflag:$0x1] =	stream.indirect_vreg.gather [hbm4b:s6+s3], $0x80, v3, vm0, $0xb8;
	[tilespmem:$0x18100] =	vst v63  }
0x61: {  	s28 =	simm.s32 $0xB900  }
0x62: {  	[tilespmem:s28], [sflag:$0x1] =	stream.indirect_vreg.gather [hbm4b:s7+s3], $0x80, v3, vm0, $0xb8;
	[tilespmem:$0x18100] =	vst v63  }
0x63: {  	_ =	swait.ge [sflag:s15], $0xC000  }
0x64: {  	[sflag:s15] =	ssyncset.done $0x0  }
0x65: {  	[sflag:s15] =	ssyncadd.s32 $0xFFFF4000  }
0x66: {  	v3 =	vld [tilespmem:$0x80];
	_ =	sdelay $0x4  }
0x67: {  	v60 =	vshrl.u32 v3, $0x3  }
0x68: {  	v4 =	vmul.u32 $0x30, v60  }
0x69: {  	v3 =	vand.u32 $0x7, v3  }
0x6a: {  	v3 =	vor.u32 v3, v4  }
0x6b: {  	v4 =	vperm.xlane v3, v0;
	_ =	sdelay $0x1  }
0x6c: {  	v4 =	vadd.s32 v1, v4;
	_ =	sdelay $0x3  }
0x6d: {  	s22 =	simm.s32 $0xC100;
	v3 =	vperm.xlane v3, v2  }
0x6e: {  	[tilespmem:s22], [sflag:$0x1] =	stream.indirect_vreg.gather [hbm4b:s2+s3], $0x80, v4, vm0, $0xb8;
	[tilespmem:$0x18100] =	vst v63  }
0x6f: {  	s23 =	simm.s32 $0xC900;
	v3 =	vadd.s32 v1, v3  }
0x70: {  	[tilespmem:s23], [sflag:$0x1] =	stream.indirect_vreg.gather [hbm4b:s6+s3], $0x80, v4, vm0, $0xb8;
	[tilespmem:$0x18100] =	vst v63  }
0x71: {  	s24 =	simm.s32 $0xD100  }
0x72: {  	[tilespmem:s24], [sflag:$0x1] =	stream.indirect_vreg.gather [hbm4b:s7+s3], $0x80, v4, vm0, $0xb8;
	[tilespmem:$0x18100] =	vst v63  }
0x73: {  	s25 =	simm.s32 $0xD900  }
0x74: {  	[tilespmem:s25], [sflag:$0x1] =	stream.indirect_vreg.gather [hbm4b:s2+s3], $0x80, v3, vm0, $0xb8;
	[tilespmem:$0x18100] =	vst v63  }
0x75: {  	s26 =	simm.s32 $0xE100  }
0x76: {  	[tilespmem:s26], [sflag:$0x1] =	stream.indirect_vreg.gather [hbm4b:s6+s3], $0x80, v3, vm0, $0xb8;
	[tilespmem:$0x18100] =	vst v63  }
0x77: {  	s28 =	simm.s32 $0xE900  }
0x78: {  	[tilespmem:s28], [sflag:$0x1] =	stream.indirect_vreg.gather [hbm4b:s7+s3], $0x80, v3, vm0, $0xb8;
	[tilespmem:$0x18100] =	vst v63  }
0x79: {  	v3 =	vld [tilespmem:$0x90];
	_ =	sdelay $0x4  }
0x7a: {  	v61 =	vshrl.u32 v3, $0x3  }
0x7b: {  	v4 =	vmul.u32 $0x30, v61  }
0x7c: {  	v3 =	vand.u32 $0x7, v3  }
0x7d: {  	v3 =	vor.u32 v3, v4  }
0x7e: {  	v4 =	vperm.xlane v3, v0;
	_ =	sdelay $0x1  }
0x7f: {  	v4 =	vadd.s32 v1, v4;
	_ =	sdelay $0x3  }
0x80: {  	s22 =	simm.s32 $0xF100;
	v3 =	vperm.xlane v3, v2  }
0x81: {  	[tilespmem:s22], [sflag:$0x1] =	stream.indirect_vreg.gather [hbm4b:s2+s3], $0x80, v4, vm0, $0xb8;
	[tilespmem:$0x18100] =	vst v63  }
0x82: {  	s23 =	simm.s32 $0xF900;
	v3 =	vadd.s32 v1, v3  }
0x83: {  	[tilespmem:s23], [sflag:$0x1] =	stream.indirect_vreg.gather [hbm4b:s6+s3], $0x80, v4, vm0, $0xb8;
	[tilespmem:$0x18100] =	vst v63  }
0x84: {  	s24 =	simm.s32 $0x10100  }
0x85: {  	[tilespmem:s24], [sflag:$0x1] =	stream.indirect_vreg.gather [hbm4b:s7+s3], $0x80, v4, vm0, $0xb8;
	[tilespmem:$0x18100] =	vst v63  }
0x86: {  	s25 =	simm.s32 $0x10900  }
0x87: {  	[tilespmem:s25], [sflag:$0x1] =	stream.indirect_vreg.gather [hbm4b:s2+s3], $0x80, v3, vm0, $0xb8;
	[tilespmem:$0x18100] =	vst v63  }
0x88: {  	s26 =	simm.s32 $0x11100  }
0x89: {  	[tilespmem:s26], [sflag:$0x1] =	stream.indirect_vreg.gather [hbm4b:s6+s3], $0x80, v3, vm0, $0xb8;
	[tilespmem:$0x18100] =	vst v63  }
0x8a: {  	s28 =	simm.s32 $0x11900  }
0x8b: {  	[tilespmem:s28], [sflag:$0x1] =	stream.indirect_vreg.gather [hbm4b:s7+s3], $0x80, v3, vm0, $0xb8;
	[tilespmem:$0x18100] =	vst v63  }
0x8c: {  	v3 =	vld [tilespmem:$0xA0];
	_ =	sdelay $0x4  }
0x8d: {  	v62 =	vshrl.u32 v3, $0x3  }
0x8e: {  	v4 =	vmul.u32 $0x30, v62  }
0x8f: {  	v3 =	vand.u32 $0x7, v3  }
0x90: {  	v3 =	vor.u32 v3, v4  }
0x91: {  	v4 =	vperm.xlane v3, v0;
	_ =	sdelay $0x1  }
0x92: {  	v4 =	vadd.s32 v1, v4;
	_ =	sdelay $0x3  }
0x93: {  	v3 =	vperm.xlane v3, v2  }
0x94: {  	[tilespmem:s29], [sflag:$0x1] =	stream.indirect_vreg.gather [hbm4b:s2+s3], $0x80, v4, vm0, $0xb8;
	[tilespmem:$0x18100] =	vst v63  }
0x95: {  	v3 =	vadd.s32 v1, v3  }
0x96: {  	[tilespmem:s30], [sflag:$0x1] =	stream.indirect_vreg.gather [hbm4b:s6+s3], $0x80, v4, vm0, $0xb8;
	[tilespmem:$0x18100] =	vst v63  }
0x97: {  	_ = 	snop  }
0x98: {  	[tilespmem:s31], [sflag:$0x1] =	stream.indirect_vreg.gather [hbm4b:s7+s3], $0x80, v4, vm0, $0xb8;
	[tilespmem:$0x18100] =	vst v63  }
0x99: {  	_ = 	snop  }
0x9a: {  	[tilespmem:s0], [sflag:$0x1] =	stream.indirect_vreg.gather [hbm4b:s2+s3], $0x80, v3, vm0, $0xb8;
	[tilespmem:$0x18100] =	vst v63  }
0x9b: {  	_ = 	snop  }
0x9c: {  	[tilespmem:s1], [sflag:$0x1] =	stream.indirect_vreg.gather [hbm4b:s6+s3], $0x80, v3, vm0, $0xb8;
	[tilespmem:$0x18100] =	vst v63  }
0x9d: {  	_ = 	snop  }
0x9e: {  	[tilespmem:s11], [sflag:$0x1] =	stream.indirect_vreg.gather [hbm4b:s7+s3], $0x80, v3, vm0, $0xb8;
	[tilespmem:$0x18100] =	vst v63  }
0x9f: {  	v3 =	vld [tilespmem:$0xB0];
	_ =	sdelay $0x4  }
0xa0: {  	v63 =	vshrl.u32 v3, $0x3  }
0xa1: {  	v4 =	vmul.u32 $0x30, v63  }
0xa2: {  	v3 =	vand.u32 $0x7, v3  }
0xa3: {  	v3 =	vor.u32 v3, v4  }
0xa4: {  	v4 =	vperm.xlane v3, v0;
	_ =	sdelay $0x1  }
0xa5: {  	v4 =	vadd.s32 v1, v4;
	_ =	sdelay $0x3  }
0xa6: {  	v3 =	vperm.xlane v3, v2  }
0xa7: {  	[tilespmem:s13], [sflag:$0x1] =	stream.indirect_vreg.gather [hbm4b:s2+s3], $0x80, v4, vm0, $0xb8;
	[tilespmem:$0x18100] =	vst v63  }
0xa8: {  	v3 =	vadd.s32 v1, v3  }
0xa9: {  	[tilespmem:s14], [sflag:$0x1] =	stream.indirect_vreg.gather [hbm4b:s6+s3], $0x80, v4, vm0, $0xb8;
	[tilespmem:$0x18100] =	vst v63  }
0xaa: {  	_ = 	snop  }
0xab: {  	[tilespmem:s16], [sflag:$0x1] =	stream.indirect_vreg.gather [hbm4b:s7+s3], $0x80, v4, vm0, $0xb8;
	[tilespmem:$0x18100] =	vst v63  }
0xac: {  	_ = 	snop  }
0xad: {  	[tilespmem:s17], [sflag:$0x1] =	stream.indirect_vreg.gather [hbm4b:s2+s3], $0x80, v3, vm0, $0xb8;
	[tilespmem:$0x18100] =	vst v63  }
0xae: {  	_ = 	snop  }
0xaf: {  	[tilespmem:s18], [sflag:$0x1] =	stream.indirect_vreg.gather [hbm4b:s6+s3], $0x80, v3, vm0, $0xb8;
	[tilespmem:$0x18100] =	vst v63  }
0xb0: {  	_ = 	snop  }
0xb1: {  	[tilespmem:s19], [sflag:$0x1] =	stream.indirect_vreg.gather [hbm4b:s7+s3], $0x80, v3, vm0, $0xb8;
	[tilespmem:$0x18100] =	vst v63  }
0xb2: {  	_ =	swait.ge [sflag:s15], $0xC000  }
0xb3: {  	[sflag:s15] =	ssyncset.done $0x0  }
0xb4: {  	s21 =	simm.s32 $0x0;
	[sflag:s15] =	ssyncadd.s32 $0xFFFF4000  }
.LBB2_2:
0xb5: {  	s22 =	sshrl.u32 s21, $0x3  }
0xb6: {  	s23 =	sshll.u32 s21, $0x7;
	s22 =	smul.u32 $0x1800, s22  }
0xb7: {  	s24 =	simm.s32 $0x0;
	s23 =	sand.u32 $0x380, s23  }
0xb8: {  	s26 =	sand.u32 $0x1C00, s24;
	s22 =	sor.u32 s23, s22  }
0xb9: {  	s24 =	sand.u32 $0x70, s24;
	s23 =	sadd.s32 s22, s26  }
0xba: {  	s23 =	sor.u32 s24, s23  }
0xbb: {  	v3 =	vld [tilespmem:s23+$0xC100]  }
0xbc: {  	v4 =	vld [tilespmem:s23+$0x100];
	_ =	sdelay $0x2  }
0xbd: {  	s24 =	simm.s32 $0x80  }
0xbe: {  	s25 =	simm.s32 $0x10;
	s28 =	sand.u32 $0x1C00, s24  }
0xbf: {  	s26 =	sand.u32 $0x70, s25;
	s25 =	simm.s32 $0x20;
	s28 =	sadd.s32 s22, s28;
	v3 =	vadd.f32 v3, v4  }
.LBB2_3:
0xc0: {  	p0 =	sne.s32 s25, $0x2F0;
	s26 =	sor.u32 s26, s28  }
0xc1: {  	v4 =	vld [tilespmem:s26+$0xC100];
	[tilespmem:s23+$0x100] =	vst v3;
	s23 =	smov.u32 s26  }
0xc2: {  	v3 =	vld [tilespmem:s23+$0x100]  }
.Ltmp0:
0xc3: {  	(pc) =	sbr.rel @p0 .LBB2_3-.Ltmp0, $4  }
0xc4: {  	_ = 	snop  }
0xc5: {  	s24 =	sadd.s32 $0x80, s24  }
0xc6: {  	s28 =	sand.u32 $0x1C00, s24  }
0xc7: {  	s26 =	sand.u32 $0x70, s25;
	s25 =	sadd.s32 $0x10, s25;
	s28 =	sadd.s32 s22, s28;
	v3 =	vadd.f32 v4, v3  }
0xc8: {  	s22 =	sor.u32 s26, s28  }
0xc9: {  	v4 =	vld [tilespmem:s22+$0xC100];
	[tilespmem:s23+$0x100] =	vst v3  }
0xca: {  	v3 =	vld [tilespmem:s22+$0x100]  }
0xcb: {  	s21 =	sadd.s32 $0x1, s21  }
0xcc: {  	p0 =	sne.s32 s21, $0x40  }
.Ltmp1:
0xcd: {  	_ = 	snop;
	(pc) =	sbr.rel @p0 .LBB2_2-.Ltmp1, $3  }
0xce: {  	_ = 	snop  }
0xcf: {  	v3 =	vadd.f32 v4, v3;
	_ =	sdelay $0x1  }
0xd0: {  	[tilespmem:s22+$0x100] =	vst v3  }
0xd1: {  	s20 =	sadd.s32 $0x1, s20  }
0xd2: {  	p0 =	sne.s32 s20, s9  }
.Ltmp2:
0xd3: {  	_ = 	snop;
	(pc) =	sbr.rel @p0 .LBB2_1-.Ltmp2, $4  }
0xd4: {  	[hbm4b:s8+s3] =	stream.linear.scatter [tilespmem:s12], [sflag:$0x2], $0xC000, $0x38;
	[tilespmem:$0x18100] =	vst v63  }
0xd5: {  	_ =	swait.ge [sflag:s10], $0xC000  }
0xd6: {  	[sflag:s10] =	ssyncset.done $0x0  }
0xd7: {  	[sflag:s10] =	ssyncadd.s32 $0xFFFF4000  }
0xd8: {  	_ =	sfence.sel $0x180000  }
0xd9: {  	[bflag:$0x0] =	sbarrier.arrive $0xFFFF  }
0xda: {  	_ =	strace $0x90000056  }
0xdb: {  	s0 =	stileid.u32;
	[bflag:$0x2] =	sbarrier.arrive $0xFFFF  }
0xdc: {  	p0 =	sne.s32 s0, $0x0;
	s0 =	rddreg [dreg:$0x2]  }
0xdd: {  	s0 =	sadd.s32 @!p0 $0x100000, s0  }
0xde: {  	[sflag:s0] =	ssyncadd.tile.s32 @!p0 $0x1;
	_ =	shalt  }
.Lfunc_end2:
_tile_overlayer_lowered:
.L_overlay_start_2:
0xdf: {  	(tag) =	ssettag $0x2  }
0xe0: {  	s0 =	rddreg [dreg:$0x0];
	s2 =	stileid.u32  }
0xe1: {  	s1 =	rddreg [dreg:$0x1];
	p0 =	sne.s32 s2, $0x0  }
0xe2: {  	s3 =	rddreg [dreg:$0x2];
	[bflag:$0x3] =	sbarrier.arrive $0xFFFF;
	s2 =	simm.s32 @!p0 $0x1C02  }
0xe3: {  	[timem:s3], [sflag:s2] =	dma.local @!p0 [hbm:s0], s1  }
0xe4: {  	s0 =	simm.s32 @!p0 $0x2  }
0xe5: {  	_ =	swait.ge @!p0 [sflag:s0], s1  }
0xe6: {  	s1 =	ssub.s32 @!p0 $0x0, s1;
	[sflag:s0] =	ssyncset.done @!p0 $0x0  }
0xe7: {  	[sflag:s0] =	ssyncadd.s32 @!p0 s1  }
0xe8: {  	[bflag:$0x3] =	sbarrier.arrive $0xFFFF  }
0xe9: {  	_ =	shalt  }

// kernel: sc_gather_rows.3.cloned.1.call-start
scs
__scs_entry_jumppad:
0x0: {  	(pc) =	sbr.rel $0x88, $3  }
0x1: {  	(tag) =	ssettag $0x0;
	lr =	simm.s32 $0x1  }
0x2: {  	[smem:$0x3F9A] =	sst lr;
	_ =	strace $0xD0000000  }
0x3: {  	_ = 	snop  }
0x4: {  	_ = 	snop  }
0x5: {  	_ = 	snop  }
0x6: {  	_ = 	snop  }
0x7: {  	_ = 	snop  }
__scs_overlays_trampoline_lowered:
0x8: {  	[smem:$0x3FA9] =	sst s0  }
0x9: {  	[smem:$0x3FAA] =	sst s1  }
0xa: {  	[smem:$0x3FAB] =	sst s2  }
0xb: {  	[smem:$0x3FAC] =	sst s3  }
0xc: {  	[smem:$0x3FAD] =	sst s4  }
0xd: {  	[smem:$0x3FAE] =	sst s5  }
0xe: {  	[smem:$0x3FAF] =	sst s6  }
0xf: {  	[smem:$0x3FB0] =	sst s7  }
0x10: {  	[smem:$0x3FB1] =	sst s8  }
0x11: {  	[smem:$0x3FB2] =	sst s9;
	s0 =	simm.s32 @!p0 $0x0  }
0x12: {  	s1 =	sld [smem:$0x3F98];
	s0 =	simm.s32 @p0 $0x1  }
0x13: {  	[smem:$0x3FB3] =	sst s0;
	s0 =	simm.s32 @!p1 $0x0  }
0x14: {  	s2 =	sld [smem:$0x3F97];
	s0 =	simm.s32 @p1 $0x1  }
0x15: {  	[smem:$0x3FB4] =	sst s0;
	s0 =	simm.s32 @!p2 $0x0  }
0x16: {  	s3 =	sld [smem:$0x3FDB];
	s0 =	simm.s32 @p2 $0x1  }
0x17: {  	s4 =	simm.s32 $0x1BF5;
	[smem:$0x3FB6] =	sst s0  }
0x18: {  	s0 =	sld [smem:$0x3F99];
	_ =	swait.ge [sflag:s4], $0x0  }
0x19: {  	s7 =	sld [smem:$0x3F9A]  }
0x1a: {  	s8 =	sadd.s32 $0xFFFFE003, lr  }
0x1b: {  	s9 =	sadd.s32 $0xFFFFFEF7, lr;
	s5 =	simm.s32 $0xFFFFFFFF;
	p2 =	slt.u32 s8, $0xFFFFF086  }
0x1c: {  	p1 =	slt.u32 s9, $0xF7A;
	s5 =	simm.s32 @!p2 $0x0  }
0x1d: {  	s5 =	simm.s32 @p1 $0x1;
	p0 =	seq.s32 s7, s2  }
0x1e: {  	s7 =	smul.u32 @!p0 $0xF7A, s2;
	p2 =	seq.s32 @!p0 s5, $0x0  }
0x1f: {  	s9 =	smul.u32 $0xF7A, s1;
	s8 =	simm.s32 @!p0 $0x1BF5;
	p2 =	por !p2, p0  }
0x20: {  	[sflag:s8] =	ssyncset.s32 @!p0 $0xFFFFF086;
	s6 =	sadd.s32 @!p0 s3, s7;
	s7 =	simm.s32 @!p0 $0x108  }
0x21: {  	s3 =	sadd.s32 s3, s9;
	s6 =	sadd.s32 @!p0 $0x88, s6;
	s7 =	simm.s32 @p2 $0x1082  }
0x22: {  	[simem:s7], [sflag:s8] =	dma.local @!p0 [hbm:s6], $0xF7A  }
0x23: {  	s9 =	sor.u32 $0xD0000000, s2;
	s6 =	simm.s32 $0x108;
	_ =	swait.ge @!p0 [sflag:s8], $0x0  }
0x24: {  	s3 =	sadd.s32 $0x88, s3;
	s6 =	simm.s32 @!p1 $0x1082;
	[sflag:s4] =	ssyncset.s32 $0xFFFFF086  }
0x25: {  	[simem:s6], [sflag:s4] =	dma.local [hbm:s3], $0xF7A  }
0x26: {  	[smem:$0x3F9A] =	sst s1;
	(tag) =	ssettag s2;
	_ =	strace s9  }
0x27: {  	s1 =	sld [smem:$0x3FAA]  }
0x28: {  	s2 =	sld [smem:$0x3FAB]  }
0x29: {  	s4 =	sld [smem:$0x3FAD]  }
0x2a: {  	p0 =	seq.s32 s5, $0x0;
	s5 =	sld [smem:$0x3FAE]  }
0x2b: {  	s6 =	sld [smem:$0x3FAF]  }
0x2c: {  	s7 =	sld [smem:$0x3FB0]  }
0x2d: {  	s3 =	simm.s32 $0x108;
	s8 =	sld [smem:$0x3FB1]  }
0x2e: {  	s3 =	simm.s32 @!p0 $0x1082;
	s9 =	sld [smem:$0x3FB2]  }
0x2f: {  	lr =	sadd.s32 s0, s3;
	s0 =	sld [smem:$0x3FA9]  }
0x30: {  	s3 =	sld [smem:$0x3FAC]  }
0x31: {  	[smem:$0x3FB5] =	sst s10  }
0x32: {  	s10 =	sld [smem:$0x3FB3];
	_ =	sdelay $0x3  }
0x33: {  	p0 =	seq.s32 s10, $0x1;
	s10 =	sld [smem:$0x3FB5];
	_ =	sdelay $0x3  }
0x34: {  	[smem:$0x3FB5] =	sst s10  }
0x35: {  	s10 =	sld [smem:$0x3FB4];
	_ =	sdelay $0x3  }
0x36: {  	p1 =	seq.s32 s10, $0x1;
	s10 =	sld [smem:$0x3FB5];
	_ =	sdelay $0x3  }
0x37: {  	[smem:$0x3FB5] =	sst s10  }
0x38: {  	s10 =	sld [smem:$0x3FB6]  }
0x39: {  	_ = 	snop;
	(pc) =	sbr.ind lr, $3  }
0x3a: {  	_ = 	snop  }
0x3b: {  	_ = 	snop  }
0x3c: {  	p2 =	seq.s32 s10, $0x1;
	s10 =	sld [smem:$0x3FB5]  }
0x3d: {  	_ =	shalt  }
0x3e: {  	_ =	shalt  }
0x3f: {  	_ =	shalt  }
0x40: {  	_ =	shalt  }
0x41: {  	_ =	shalt  }
0x42: {  	_ =	shalt  }
0x43: {  	_ =	shalt  }
0x44: {  	_ =	shalt  }
0x45: {  	_ =	shalt  }
0x46: {  	_ =	shalt  }
0x47: {  	_ =	shalt  }
0x48: {  	_ =	shalt  }
0x49: {  	_ =	shalt  }
0x4a: {  	_ =	shalt  }
0x4b: {  	_ =	shalt  }
0x4c: {  	_ =	shalt  }
0x4d: {  	_ =	shalt  }
0x4e: {  	_ =	shalt  }
0x4f: {  	_ =	shalt  }
0x50: {  	_ =	shalt  }
0x51: {  	_ =	shalt  }
0x52: {  	_ =	shalt  }
0x53: {  	_ =	shalt  }
0x54: {  	_ =	shalt  }
0x55: {  	_ =	shalt  }
0x56: {  	_ =	shalt  }
0x57: {  	_ =	shalt  }
0x58: {  	_ =	shalt  }
0x59: {  	_ =	shalt  }
0x5a: {  	_ =	shalt  }
0x5b: {  	_ =	shalt  }
0x5c: {  	_ =	shalt  }
0x5d: {  	_ =	shalt  }
0x5e: {  	_ =	shalt  }
0x5f: {  	_ =	shalt  }
0x60: {  	_ =	shalt  }
0x61: {  	_ =	shalt  }
0x62: {  	_ =	shalt  }
0x63: {  	_ =	shalt  }
0x64: {  	_ =	shalt  }
0x65: {  	_ =	shalt  }
0x66: {  	_ =	shalt  }
0x67: {  	_ =	shalt  }
0x68: {  	_ =	shalt  }
0x69: {  	_ =	shalt  }
0x6a: {  	_ =	shalt  }
0x6b: {  	_ =	shalt  }
0x6c: {  	_ =	shalt  }
0x6d: {  	_ =	shalt  }
0x6e: {  	_ =	shalt  }
0x6f: {  	_ =	shalt  }
0x70: {  	_ =	shalt  }
0x71: {  	_ =	shalt  }
0x72: {  	_ =	shalt  }
0x73: {  	_ =	shalt  }
0x74: {  	_ =	shalt  }
0x75: {  	_ =	shalt  }
0x76: {  	_ =	shalt  }
0x77: {  	_ =	shalt  }
0x78: {  	_ =	shalt  }
0x79: {  	_ =	shalt  }
0x7a: {  	_ =	shalt  }
0x7b: {  	_ =	shalt  }
0x7c: {  	_ =	shalt  }
0x7d: {  	_ =	shalt  }
0x7e: {  	_ =	shalt  }
0x7f: {  	_ =	shalt  }
0x80: {  	_ =	shalt  }
0x81: {  	_ =	shalt  }
0x82: {  	_ =	shalt  }
0x83: {  	_ =	shalt  }
0x84: {  	_ =	shalt  }
0x85: {  	_ =	shalt  }
0x86: {  	_ =	shalt  }
0x87: {  	_ =	shalt  }
.Lfunc_end0:
.L_simem_size_0:
called_computation.4_lowered:
.L_overlay_start_0:
0x88: {  	s2 =	sld [smem:$0x3FD9]  }
0x89: {  	s3 =	sld [smem:$0x3FFE];
	_ =	sdelay $0x1  }
0x8a: {  	s1 =	srdreg.scid  }
0x8b: {  	s0 =	sand.u32 $0x1, s1  }
0x8c: {  	s17 =	sshll.u32 s0, $0xA;
	s2 =	sadd.s32 s3, s2  }
0x8d: {  	s2 =	sadd.s32 s2, s17  }
0x8e: {  	[smem:$0x3FC1] =	sst s2  }
0x8f: {  	_ = 	snop  }
0x90: {  	s18 =	sld [smem:$0x3FC9]  }
0x91: {  	s4 =	sld [smem:$0x3FD0];
	(tm) =	ssettm $0x1  }
0x92: {  	s19 =	sld [smem:$0x3FFB];
	_ =	sdelay $0x3  }
0x93: {  	_ =	strace s19  }
0x94: {  	s2 =	sld [smem:$0x3FFC];
	_ =	sdelay $0x3  }
0x95: {  	_ =	strace s2  }
0x96: {  	s2 =	sld [smem:$0x3FFD];
	_ =	sdelay $0x3  }
0x97: {  	_ =	strace s2  }
0x98: {  	_ =	strace $0x8FFFFFFF  }
0x99: {  	s20 =	sld [smem:$0x3FDB];
	_ =	sdelay $0x1  }
0x9a: {  	s5 =	simm.s32 $_scs_section_size  }
0x9b: {  	s6 =	simm.s32 $_size__tile_overlayer_lowered;
	s7 =	simm.s32 $_tile_overlayer_lowered  }
0x9c: {  	s8 =	simm.s32 $0x1BFF;
	s21 =	sshll.u32 s7, $0x1;
	s5 =	sadd.s32 s5, s20  }
0x9d: {  	s22 =	simm.s32 $0x0;
	s6 =	sshll.u32 s6, $0x1;
	s7 =	sadd.s32 s21, s5  }
0x9e: {  	[timem:s22], [sflag:s8] =	dma.local [hbm:s7], s6  }
0x9f: {  	_ =	swait.ge [sflag:s8], s6  }
0xa0: {  	s6 =	ssub.s32 $0x0, s6;
	[sflag:s8] =	ssyncset.done $0x0  }
0xa1: {  	[sflag:s8] =	ssyncadd.s32 s6;
	_ =	sdelay $0x1  }
0xa2: {  	s23 =	simm.s32 $0x1B8B  }
0xa3: {  	_ =	swait.ge [sflag:s23], $0x1  }
0xa4: {  	[sflag:s23] =	ssyncset.done $0x0  }
0xa5: {  	[sflag:s23] =	ssyncadd.s32 $0xFFFFFFFF  }
0xa6: {  	s6 =	sld [smem:$0x0]  }
0xa7: {  	s7 =	sand.u32 $0xFFFFFFFE, s1  }
0xa8: {  	p0 =	sne.s32 s1, s7  }
0xa9: {  	s7 =	sshll.u32 @p0 s7, $0xE  }
0xaa: {  	s7 =	sadd.s32 @p0 $0x11B8D, s7;
	s8 =	sshll.u32 @p0 s6, $0x11  }
0xab: {  	s7 =	sor.u32 @p0 s8, s7  }
0xac: {  	[sflag:s7] =	ssyncadd.remote.s32 @p0 $0x1;
	_ =	sdelay $0x1  }
0xad: {  	s7 =	simm.s32 @p0 $0x1B8D  }
0xae: {  	_ =	swait.eq @p0 [sflag:s7], $0x1  }
0xaf: {  	[sflag:s7] =	ssyncadd.s32 @p0 $0xFFFFFFFF  }
0xb0: {  	s8 =	sshll.u32 @!p0 s1, $0xE  }
0xb1: {  	s8 =	sor.u32 @!p0 $0x4000, s8;
	s7 =	simm.s32 @!p0 $0x1B8D  }
0xb2: {  	s6 =	sshll.u32 @!p0 s6, $0x11;
	s8 =	sadd.s32 @!p0 $0x11B8D, s8;
	_ =	swait.eq @!p0 [sflag:s7], $0x1  }
0xb3: {  	s6 =	sor.u32 @!p0 s6, s8;
	[sflag:s7] =	ssyncadd.s32 @!p0 $0xFFFFFFFF  }
0xb4: {  	s25 =	simm.s32 $0x1B8E;
	s24 =	sld [smem:$0x3FFE];
	[sflag:s6] =	ssyncadd.remote.s32 @!p0 $0x1  }
0xb5: {  	s26 =	simm.s32 $execute0_lowered;
	[smem:$0x3FD2] =	sst s25  }
0xb6: {  	s7 =	sshll.u32 s26, $0x1;
	_ =	strace $0x80000052;
	[dreg:$0x1] =	wrdreg $0xFFFFFFFF  }
0xb7: {  	s28 =	simm.s32 $_size_execute0_lowered;
	s5 =	sadd.s32 s5, s7;
	[dreg:$0x0] =	wrdreg $0x0  }
0xb8: {  	s7 =	sshll.u32 s28, $0x1;
	[dreg:$0x2] =	wrdreg s5  }
0xb9: {  	[dreg:$0x3] =	wrdreg s7  }
0xba: {  	[dreg:$0x4] =	wrdreg $0xC0  }
0xbb: {  	_ =	task [dreg:s22], $0x5FFFF  }
0xbc: {  	[dreg:$0x1] =	wrdreg $0xFFFFFFFF  }
0xbd: {  	[dreg:$0x0] =	wrdreg $0x60  }
0xbe: {  	[dreg:$0x2] =	wrdreg s18  }
0xbf: {  	[dreg:$0x3] =	wrdreg s4  }
0xc0: {  	[dreg:$0x4] =	wrdreg s24  }
0xc1: {  	[dreg:$0x5] =	wrdreg $0xB  }
0xc2: {  	_ =	task.clear_ibuf [dreg:s22], $0x6FFFF;
	_ =	strace $0x90000052  }
0xc3: {  	s29 =	simm.s32 $0xB;
	_ =	strace $0x80000054  }
0xc4: {  	_ =	swait.ge [sflag:s29], $0x1  }
0xc5: {  	[sflag:s29] =	ssyncadd.s32 $0xFFFFFFFF  }
0xc6: {  	_ =	strace $0x90000054  }
0xc7: {  	_ =	sfence  }
0xc8: {  	s30 =	sld [smem:$0x0];
	_ =	sdelay $0x2  }
0xc9: {  	s31 =	sshll.u32 s1, $0xD;
	s1 =	sshrl.u32 s1, $0x2  }
0xca: {  	s4 =	sand.u32 $0x4000, s31;
	s1 =	sadd.s32 s1, s30  }
0xcb: {  	s0 =	sor.u32 s4, s0;
	s1 =	sshll.u32 s1, $0x11  }
0xcc: {  	s0 =	sor.u32 s1, s0  }
0xcd: {  	s0 =	sadd.s32 $0x8F2B, s0  }
0xce: {  	[sflag:s0] =	ssyncadd.remote.s32 $0x1  }
0xcf: {  	_ =	sfence.sel $0xFFFF  }
0xd0: {  	[dreg:$0x0] =	wrdreg $0xFFFFFFFF;
	(pc) =	sbr.abs _section_cstart, $3  }
0xd1: {  	[dreg:$0x1] =	wrdreg $0xFFFFFFFF  }
0xd2: {  	_ =	task.clear_ibuf [dreg:s22], $0x2FFFF;
	_ =	strace $0x9FFFFFFF  }
0xd3: {  	(tm) =	ssettm $0x7FFFFFFF  }
tec
execute0_lowered:
.L_overlay_start_1:
0x0: {  	(tag) =	ssettag $0x1  }
0x1: {  	s2 =	srdreg.scid  }
0x2: {  	s0 =	stileid.u32;
	s1 =	rddreg [dreg:$0x0]  }
0x3: {  	s4 =	rddreg [dreg:$0x1];
	s2 =	sand.u32 $0x1, s2;
	s3 =	sshll.u32 s0, $0x1  }
0x4: {  	s6 =	rddreg [dreg:$0x2];
	s5 =	sor.u32 s2, s3;
	s3 =	simm.s32 $0x0  }
0x5: {  	s11 =	simm.s32 $0x900;
	[smem:$0x7FF] =	sst s3  }
0x6: {  	s12 =	simm.s32 $0x1100;
	_ =	strace $0x80000053;
	[dreg:$0x6] =	wrdreg s11  }
0x7: {  	s13 =	simm.s32 $0x1900;
	[dreg:$0x7] =	wrdreg s12  }
0x8: {  	s14 =	simm.s32 $0x2100;
	[dreg:$0x8] =	wrdreg s13  }
0x9: {  	s15 =	simm.s32 $0x2900;
	[dreg:$0x9] =	wrdreg s14  }
0xa: {  	s16 =	simm.s32 $0x3100;
	[dreg:$0xa] =	wrdreg s15  }
0xb: {  	s17 =	simm.s32 $0x3900;
	[dreg:$0xb] =	wrdreg s16  }
0xc: {  	s18 =	simm.s32 $0x4100;
	[dreg:$0xc] =	wrdreg s17  }
0xd: {  	s19 =	simm.s32 $0x4900;
	[dreg:$0xd] =	wrdreg s18  }
0xe: {  	s20 =	simm.s32 $0x5100;
	[dreg:$0xe] =	wrdreg s19  }
0xf: {  	s21 =	simm.s32 $0x5900;
	[dreg:$0xf] =	wrdreg s20  }
0x10: {  	s22 =	simm.s32 $0x6100;
	[dreg:$0x10] =	wrdreg s21  }
0x11: {  	s23 =	simm.s32 $0x6900;
	[dreg:$0x11] =	wrdreg s22  }
0x12: {  	s24 =	simm.s32 $0x7100;
	[dreg:$0x12] =	wrdreg s23  }
0x13: {  	s25 =	simm.s32 $0x7900;
	[dreg:$0x13] =	wrdreg s24  }
0x14: {  	s26 =	simm.s32 $0x8100;
	[dreg:$0x14] =	wrdreg s25  }
0x15: {  	s0 =	simm.s32 $0x8900;
	[dreg:$0x15] =	wrdreg s26  }
0x16: {  	s8 =	simm.s32 $0xA900;
	[dreg:$0x16] =	wrdreg s0  }
0x17: {  	s9 =	simm.s32 $0xB100;
	[dreg:$0x1a] =	wrdreg s8  }
0x18: {  	[dreg:$0x1b] =	wrdreg s9;
	s11 =	simm.s32 $0xC100  }
0x19: {  	s12 =	simm.s32 $0xC900;
	[dreg:$0x1d] =	wrdreg s11  }
0x1a: {  	s28 =	simm.s32 $0x1C900;
	s13 =	simm.s32 $0xD100;
	[dreg:$0x1e] =	wrdreg s12  }
0x1b: {  	s29 =	simm.s32 $0x1D100;
	s14 =	simm.s32 $0xD900;
	[dreg:$0x1f] =	wrdreg s13  }
0x1c: {  	s30 =	simm.s32 $0x1D900;
	s15 =	simm.s32 $0xE100;
	[smem:$0x7F2] =	sst s14  }
0x1d: {  	s31 =	simm.s32 $0x1;
	s16 =	simm.s32 $0xE900;
	[smem:$0x7F3] =	sst s15  }
0x1e: {  	s2 =	ssub.s32 $0x2, s2;
	s17 =	simm.s32 $0xF100;
	[smem:$0x7F4] =	sst s16  }
0x1f: {  	s7 =	smul.u32 $0x3C00, s5;
	s18 =	simm.s32 $0xF900;
	[smem:$0x7F5] =	sst s17  }
0x20: {  	s5 =	smul.u32 $0x14, s5;
	s20 =	simm.s32 $0x10100;
	[smem:$0x7F6] =	sst s18  }
0x21: {  	s19 =	sshrl.u32 s2, $0x1;
	s21 =	simm.s32 $0x10900;
	[smem:$0x7F7] =	sst s20  }
0x22: {  	s22 =	simm.s32 $0x11100;
	s23 =	simm.s32 $0x11900;
	[smem:$0x7F8] =	sst s21  }
0x23: {  	s24 =	simm.s32 $0x12100;
	s25 =	simm.s32 $0x12900;
	[smem:$0x7F9] =	sst s22  }
0x24: {  	s8 =	simm.s32 $0x100;
	s26 =	simm.s32 $0x13100;
	[smem:$0x7FA] =	sst s23  }
0x25: {  	s6 =	sadd.s32 s7, s6;
	s4 =	sadd.s32 s4, s5;
	[smem:$0x7FB] =	sst s24  }
0x26: {  	s5 =	simm.s32 $0x9100;
	s7 =	simm.s32 $0xA100;
	[smem:$0x7FC] =	sst s25  }
0x27: {  	s2 =	ssub.s32 s2, s19;
	[smem:$0x7FD] =	sst s26;
	s11 =	simm.s32 $0x14900  }
0x28: {  	s12 =	simm.s32 $0x15100;
	s13 =	simm.s32 $0x15900;
	s14 =	simm.s32 $0x16100  }
0x29: {  	s15 =	simm.s32 $0x16900;
	s16 =	simm.s32 $0x17100;
	s17 =	simm.s32 $0x17900  }
0x2a: {  	s18 =	simm.s32 $0x18100;
	s19 =	simm.s32 $0x18900;
	s20 =	simm.s32 $0x19100  }
0x2b: {  	s21 =	simm.s32 $0x19900;
	s22 =	simm.s32 $0x1A100;
	s23 =	simm.s32 $0x1A900  }
0x2c: {  	s24 =	simm.s32 $0x1B100;
	s25 =	simm.s32 $0x1B900;
	[dreg:$0x4] =	wrdreg s4  }
0x2d: {  	s26 =	simm.s32 $0x1C100;
	s10 =	sadd.s32 $0x300E00, s6;
	[dreg:$0x17] =	wrdreg s5  }
0x2e: {  	s6 =	simm.s32 $0x9900;
	[dreg:$0x19] =	wrdreg s7;
	s4 =	sadd.s32 $0x100, s1  }
0x2f: {  	v2 =	vlaneseq.u32;
	s5 =	sadd.s32 $0x200, s1;
	s7 =	simm.s32 $0x3;
	[dreg:$0x5] =	wrdreg s10  }
0x30: {  	vm0 =	vmmov $0xffff;
	v1 =	vshrl.u32 v2, $0x3;
	[dreg:$0x18] =	wrdreg s6;
	s10 =	simm.s32 $0xB900;
	s6 =	smax.u32 s2, $0x1  }
0x31: {  	v0 =	vand.u32 $0x7, v2;
	v2 =	vor.u32 $0x8, v2;
	v1 =	vmul.u32 $0x8, v1;
	s2 =	simm.s32 $0x2;
	[dreg:$0x1c] =	wrdreg s10;
	s10 =	simm.s32 $0x14100  }
.LBB2_1:
0x32: {  	s0 =	rddreg [dreg:$0x4]  }
0x33: {  	[tilespmem:s3], [sflag:$0x3] =	stream.linear.gather [hbm4b:s0+s3], $0xA0, $0x38;
	[tilespmem:$0x1E100] =	vst v63  }
0x34: {  	_ =	swait.ge [sflag:s7], $0xA0  }
0x35: {  	[sflag:s7] =	ssyncset.done $0x0  }
0x36: {  	[sflag:s7] =	ssyncadd.s32 $0xFFFFFF60  }
0x37: {  	v3 =	vld [tilespmem:$0x0];
	_ =	sdelay $0x4  }
0x38: {  	v4 =	vshrl.u32 v3, $0x3  }
0x39: {  	v4 =	vmul.u32 $0x30, v4  }
0x3a: {  	v3 =	vand.u32 $0x7, v3  }
0x3b: {  	v3 =	vor.u32 v3, v4  }
0x3c: {  	v4 =	vperm.xlane v3, v0;
	_ =	sdelay $0x1  }
0x3d: {  	v4 =	vadd.s32 v1, v4;
	_ =	sdelay $0x3  }
0x3e: {  	v3 =	vperm.xlane v3, v2  }
0x3f: {  	[tilespmem:s8], [sflag:$0x1] =	stream.indirect_vreg.gather [hbm4b:s1+s3], $0x80, v4, vm0, $0xb8;
	[tilespmem:$0x1E100] =	vst v63  }
0x40: {  	s0 =	rddreg [dreg:$0x6];
	v3 =	vadd.s32 v1, v3  }
0x41: {  	[tilespmem:s0], [sflag:$0x1] =	stream.indirect_vreg.gather [hbm4b:s4+s3], $0x80, v4, vm0, $0xb8;
	[tilespmem:$0x1E100] =	vst v63  }
0x42: {  	s9 =	rddreg [dreg:$0x7]  }
0x43: {  	[tilespmem:s9], [sflag:$0x1] =	stream.indirect_vreg.gather [hbm4b:s5+s3], $0x80, v4, vm0, $0xb8;
	[tilespmem:$0x1E100] =	vst v63  }
0x44: {  	s0 =	rddreg [dreg:$0x8]  }
0x45: {  	[tilespmem:s0], [sflag:$0x1] =	stream.indirect_vreg.gather [hbm4b:s1+s3], $0x80, v3, vm0, $0xb8;
	[tilespmem:$0x1E100] =	vst v63  }
0x46: {  	s9 =	rddreg [dreg:$0x9]  }
0x47: {  	[tilespmem:s9], [sflag:$0x1] =	stream.indirect_vreg.gather [hbm4b:s4+s3], $0x80, v3, vm0, $0xb8;
	[tilespmem:$0x1E100] =	vst v63  }
0x48: {  	s0 =	rddreg [dreg:$0xa]  }
0x49: {  	[tilespmem:s0], [sflag:$0x1] =	stream.indirect_vreg.gather [hbm4b:s5+s3], $0x80, v3, vm0, $0xb8;
	[tilespmem:$0x1E100] =	vst v63  }
0x4a: {  	v3 =	vld [tilespmem:$0x10];
	_ =	sdelay $0x4  }
0x4b: {  	v55 =	vshrl.u32 v3, $0x3  }
0x4c: {  	v4 =	vmul.u32 $0x30, v55  }
0x4d: {  	v3 =	vand.u32 $0x7, v3  }
0x4e: {  	v3 =	vor.u32 v3, v4  }
0x4f: {  	v4 =	vperm.xlane v3, v0;
	_ =	sdelay $0x1  }
0x50: {  	v4 =	vadd.s32 v1, v4;
	_ =	sdelay $0x3  }
0x51: {  	s0 =	rddreg [dreg:$0xb];
	v3 =	vperm.xlane v3, v2  }
0x52: {  	[tilespmem:s0], [sflag:$0x1] =	stream.indirect_vreg.gather [hbm4b:s1+s3], $0x80, v4, vm0, $0xb8;
	[tilespmem:$0x1E100] =	vst v63  }
0x53: {  	s9 =	rddreg [dreg:$0xc];
	v3 =	vadd.s32 v1, v3  }
0x54: {  	[tilespmem:s9], [sflag:$0x1] =	stream.indirect_vreg.gather [hbm4b:s4+s3], $0x80, v4, vm0, $0xb8;
	[tilespmem:$0x1E100] =	vst v63  }
0x55: {  	s0 =	rddreg [dreg:$0xd]  }
0x56: {  	[tilespmem:s0], [sflag:$0x1] =	stream.indirect_vreg.gather [hbm4b:s5+s3], $0x80, v4, vm0, $0xb8;
	[tilespmem:$0x1E100] =	vst v63  }
0x57: {  	s9 =	rddreg [dreg:$0xe]  }
0x58: {  	[tilespmem:s9], [sflag:$0x1] =	stream.indirect_vreg.gather [hbm4b:s1+s3], $0x80, v3, vm0, $0xb8;
	[tilespmem:$0x1E100] =	vst v63  }
0x59: {  	s0 =	rddreg [dreg:$0xf]  }
0x5a: {  	[tilespmem:s0], [sflag:$0x1] =	stream.indirect_vreg.gather [hbm4b:s4+s3], $0x80, v3, vm0, $0xb8;
	[tilespmem:$0x1E100] =	vst v63  }
0x5b: {  	s9 =	rddreg [dreg:$0x10]  }
0x5c: {  	[tilespmem:s9], [sflag:$0x1] =	stream.indirect_vreg.gather [hbm4b:s5+s3], $0x80, v3, vm0, $0xb8;
	[tilespmem:$0x1E100] =	vst v63  }
0x5d: {  	v3 =	vld [tilespmem:$0x20];
	_ =	sdelay $0x4  }
0x5e: {  	v56 =	vshrl.u32 v3, $0x3  }
0x5f: {  	v4 =	vmul.u32 $0x30, v56  }
0x60: {  	v3 =	vand.u32 $0x7, v3  }
0x61: {  	v3 =	vor.u32 v3, v4  }
0x62: {  	v4 =	vperm.xlane v3, v0;
	_ =	sdelay $0x1  }
0x63: {  	v4 =	vadd.s32 v1, v4;
	_ =	sdelay $0x3  }
0x64: {  	s0 =	rddreg [dreg:$0x11];
	v3 =	vperm.xlane v3, v2  }
0x65: {  	[tilespmem:s0], [sflag:$0x1] =	stream.indirect_vreg.gather [hbm4b:s1+s3], $0x80, v4, vm0, $0xb8;
	[tilespmem:$0x1E100] =	vst v63  }
0x66: {  	s9 =	rddreg [dreg:$0x12];
	v3 =	vadd.s32 v1, v3  }
0x67: {  	[tilespmem:s9], [sflag:$0x1] =	stream.indirect_vreg.gather [hbm4b:s4+s3], $0x80, v4, vm0, $0xb8;
	[tilespmem:$0x1E100] =	vst v63  }
0x68: {  	s0 =	rddreg [dreg:$0x13]  }
0x69: {  	[tilespmem:s0], [sflag:$0x1] =	stream.indirect_vreg.gather [hbm4b:s5+s3], $0x80, v4, vm0, $0xb8;
	[tilespmem:$0x1E100] =	vst v63  }
0x6a: {  	s9 =	rddreg [dreg:$0x14]  }
0x6b: {  	[tilespmem:s9], [sflag:$0x1] =	stream.indirect_vreg.gather [hbm4b:s1+s3], $0x80, v3, vm0, $0xb8;
	[tilespmem:$0x1E100] =	vst v63  }
0x6c: {  	s0 =	rddreg [dreg:$0x15]  }
0x6d: {  	[tilespmem:s0], [sflag:$0x1] =	stream.indirect_vreg.gather [hbm4b:s4+s3], $0x80, v3, vm0, $0xb8;
	[tilespmem:$0x1E100] =	vst v63  }
0x6e: {  	s9 =	rddreg [dreg:$0x16]  }
0x6f: {  	[tilespmem:s9], [sflag:$0x1] =	stream.indirect_vreg.gather [hbm4b:s5+s3], $0x80, v3, vm0, $0xb8;
	[tilespmem:$0x1E100] =	vst v63  }
0x70: {  	v3 =	vld [tilespmem:$0x30];
	_ =	sdelay $0x4  }
0x71: {  	v57 =	vshrl.u32 v3, $0x3  }
0x72: {  	v4 =	vmul.u32 $0x30, v57  }
0x73: {  	v3 =	vand.u32 $0x7, v3  }
0x74: {  	v3 =	vor.u32 v3, v4  }
0x75: {  	v4 =	vperm.xlane v3, v0;
	_ =	sdelay $0x1  }
0x76: {  	v4 =	vadd.s32 v1, v4;
	_ =	sdelay $0x3  }
0x77: {  	s0 =	rddreg [dreg:$0x17];
	v3 =	vperm.xlane v3, v2  }
0x78: {  	[tilespmem:s0], [sflag:$0x1] =	stream.indirect_vreg.gather [hbm4b:s1+s3], $0x80, v4, vm0, $0xb8;
	[tilespmem:$0x1E100] =	vst v63  }
0x79: {  	s9 =	rddreg [dreg:$0x18];
	v3 =	vadd.s32 v1, v3  }
0x7a: {  	[tilespmem:s9], [sflag:$0x1] =	stream.indirect_vreg.gather [hbm4b:s4+s3], $0x80, v4, vm0, $0xb8;
	[tilespmem:$0x1E100] =	vst v63  }
0x7b: {  	s0 =	rddreg [dreg:$0x19]  }
0x7c: {  	[tilespmem:s0], [sflag:$0x1] =	stream.indirect_vreg.gather [hbm4b:s5+s3], $0x80, v4, vm0, $0xb8;
	[tilespmem:$0x1E100] =	vst v63  }
0x7d: {  	s9 =	rddreg [dreg:$0x1a]  }
0x7e: {  	[tilespmem:s9], [sflag:$0x1] =	stream.indirect_vreg.gather [hbm4b:s1+s3], $0x80, v3, vm0, $0xb8;
	[tilespmem:$0x1E100] =	vst v63  }
0x7f: {  	s0 =	rddreg [dreg:$0x1b]  }
0x80: {  	[tilespmem:s0], [sflag:$0x1] =	stream.indirect_vreg.gather [hbm4b:s4+s3], $0x80, v3, vm0, $0xb8;
	[tilespmem:$0x1E100] =	vst v63  }
0x81: {  	s9 =	rddreg [dreg:$0x1c]  }
0x82: {  	[tilespmem:s9], [sflag:$0x1] =	stream.indirect_vreg.gather [hbm4b:s5+s3], $0x80, v3, vm0, $0xb8;
	[tilespmem:$0x1E100] =	vst v63  }
0x83: {  	v3 =	vld [tilespmem:$0x40];
	_ =	sdelay $0x4  }
0x84: {  	v58 =	vshrl.u32 v3, $0x3  }
0x85: {  	v4 =	vmul.u32 $0x30, v58  }
0x86: {  	v3 =	vand.u32 $0x7, v3  }
0x87: {  	v3 =	vor.u32 v3, v4  }
0x88: {  	v4 =	vperm.xlane v3, v0;
	_ =	sdelay $0x1  }
0x89: {  	v4 =	vadd.s32 v1, v4;
	_ =	sdelay $0x2  }
0x8a: {  	s0 =	rddreg [dreg:$0x1d]  }
0x8b: {  	s9 =	rddreg [dreg:$0x1e];
	v3 =	vperm.xlane v3, v2  }
0x8c: {  	[tilespmem:s0], [sflag:$0x1] =	stream.indirect_vreg.gather [hbm4b:s1+s3], $0x80, v4, vm0, $0xb8;
	[tilespmem:$0x1E100] =	vst v63  }
0x8d: {  	v3 =	vadd.s32 v1, v3;
	s0 =	rddreg [dreg:$0x1f]  }
0x8e: {  	[tilespmem:s9], [sflag:$0x1] =	stream.indirect_vreg.gather [hbm4b:s4+s3], $0x80, v4, vm0, $0xb8;
	[tilespmem:$0x1E100] =	vst v63  }
0x8f: {  	s9 =	sld [smem:$0x7F2]  }
0x90: {  	[tilespmem:s0], [sflag:$0x1] =	stream.indirect_vreg.gather [hbm4b:s5+s3], $0x80, v4, vm0, $0xb8;
	[tilespmem:$0x1E100] =	vst v63  }
0x91: {  	s0 =	sld [smem:$0x7F3]  }
0x92: {  	[tilespmem:s9], [sflag:$0x1] =	stream.indirect_vreg.gather [hbm4b:s1+s3], $0x80, v3, vm0, $0xb8;
	[tilespmem:$0x1E100] =	vst v63  }
0x93: {  	s9 =	sld [smem:$0x7F4]  }
0x94: {  	[tilespmem:s0], [sflag:$0x1] =	stream.indirect_vreg.gather [hbm4b:s4+s3], $0x80, v3, vm0, $0xb8;
	[tilespmem:$0x1E100] =	vst v63  }
0x95: {  	_ = 	snop  }
0x96: {  	[tilespmem:s9], [sflag:$0x1] =	stream.indirect_vreg.gather [hbm4b:s5+s3], $0x80, v3, vm0, $0xb8;
	[tilespmem:$0x1E100] =	vst v63  }
0x97: {  	v3 =	vld [tilespmem:$0x50];
	_ =	sdelay $0x4  }
0x98: {  	v59 =	vshrl.u32 v3, $0x3  }
0x99: {  	v4 =	vmul.u32 $0x30, v59  }
0x9a: {  	v3 =	vand.u32 $0x7, v3  }
0x9b: {  	v3 =	vor.u32 v3, v4  }
0x9c: {  	v4 =	vperm.xlane v3, v0;
	_ =	sdelay $0x1  }
0x9d: {  	v4 =	vadd.s32 v1, v4;
	_ =	sdelay $0x1  }
0x9e: {  	s0 =	sld [smem:$0x7F5];
	_ =	sdelay $0x1  }
0x9f: {  	s9 =	sld [smem:$0x7F6];
	v3 =	vperm.xlane v3, v2  }
0xa0: {  	[tilespmem:s0], [sflag:$0x2] =	stream.indirect_vreg.gather [hbm4b:s1+s3], $0x80, v4, vm0, $0xb8;
	[tilespmem:$0x1E100] =	vst v63  }
0xa1: {  	v3 =	vadd.s32 v1, v3;
	s0 =	sld [smem:$0x7F7]  }
0xa2: {  	[tilespmem:s9], [sflag:$0x2] =	stream.indirect_vreg.gather [hbm4b:s4+s3], $0x80, v4, vm0, $0xb8;
	[tilespmem:$0x1E100] =	vst v63  }
0xa3: {  	s9 =	sld [smem:$0x7F8]  }
0xa4: {  	[tilespmem:s0], [sflag:$0x2] =	stream.indirect_vreg.gather [hbm4b:s5+s3], $0x80, v4, vm0, $0xb8;
	[tilespmem:$0x1E100] =	vst v63  }
0xa5: {  	s0 =	sld [smem:$0x7F9]  }
0xa6: {  	[tilespmem:s9], [sflag:$0x2] =	stream.indirect_vreg.gather [hbm4b:s1+s3], $0x80, v3, vm0, $0xb8;
	[tilespmem:$0x1E100] =	vst v63  }
0xa7: {  	s9 =	sld [smem:$0x7FA]  }
0xa8: {  	[tilespmem:s0], [sflag:$0x2] =	stream.indirect_vreg.gather [hbm4b:s4+s3], $0x80, v3, vm0, $0xb8;
	[tilespmem:$0x1E100] =	vst v63  }
0xa9: {  	_ = 	snop  }
0xaa: {  	[tilespmem:s9], [sflag:$0x2] =	stream.indirect_vreg.gather [hbm4b:s5+s3], $0x80, v3, vm0, $0xb8;
	[tilespmem:$0x1E100] =	vst v63  }
0xab: {  	v3 =	vld [tilespmem:$0x60];
	_ =	sdelay $0x4  }
0xac: {  	v60 =	vshrl.u32 v3, $0x3  }
0xad: {  	v4 =	vmul.u32 $0x30, v60  }
0xae: {  	v3 =	vand.u32 $0x7, v3  }
0xaf: {  	v3 =	vor.u32 v3, v4  }
0xb0: {  	v4 =	vperm.xlane v3, v0;
	_ =	sdelay $0x1  }
0xb1: {  	v4 =	vadd.s32 v1, v4;
	_ =	sdelay $0x1  }
0xb2: {  	s0 =	sld [smem:$0x7FB];
	_ =	sdelay $0x1  }
0xb3: {  	s9 =	sld [smem:$0x7FC];
	v3 =	vperm.xlane v3, v2  }
0xb4: {  	[tilespmem:s0], [sflag:$0x2] =	stream.indirect_vreg.gather [hbm4b:s1+s3], $0x80, v4, vm0, $0xb8;
	[tilespmem:$0x1E100] =	vst v63  }
0xb5: {  	v3 =	vadd.s32 v1, v3;
	s0 =	sld [smem:$0x7FD]  }
0xb6: {  	[tilespmem:s9], [sflag:$0x2] =	stream.indirect_vreg.gather [hbm4b:s4+s3], $0x80, v4, vm0, $0xb8;
	[tilespmem:$0x1E100] =	vst v63  }
0xb7: {  	_ = 	snop  }
0xb8: {  	[tilespmem:s0], [sflag:$0x2] =	stream.indirect_vreg.gather [hbm4b:s5+s3], $0x80, v4, vm0, $0xb8;
	[tilespmem:$0x1E100] =	vst v63  }
0xb9: {  	s9 =	simm.s32 $0x13900  }
0xba: {  	[tilespmem:s9], [sflag:$0x2] =	stream.indirect_vreg.gather [hbm4b:s1+s3], $0x80, v3, vm0, $0xb8;
	[tilespmem:$0x1E100] =	vst v63  }
0xbb: {  	_ = 	snop  }
0xbc: {  	[tilespmem:s10], [sflag:$0x2] =	stream.indirect_vreg.gather [hbm4b:s4+s3], $0x80, v3, vm0, $0xb8;
	[tilespmem:$0x1E100] =	vst v63  }
0xbd: {  	_ = 	snop  }
0xbe: {  	[tilespmem:s11], [sflag:$0x2] =	stream.indirect_vreg.gather [hbm4b:s5+s3], $0x80, v3, vm0, $0xb8;
	[tilespmem:$0x1E100] =	vst v63  }
0xbf: {  	v3 =	vld [tilespmem:$0x70];
	_ =	sdelay $0x4  }
0xc0: {  	v61 =	vshrl.u32 v3, $0x3  }
0xc1: {  	v4 =	vmul.u32 $0x30, v61  }
0xc2: {  	v3 =	vand.u32 $0x7, v3  }
0xc3: {  	v3 =	vor.u32 v3, v4  }
0xc4: {  	v4 =	vperm.xlane v3, v0;
	_ =	sdelay $0x1  }
0xc5: {  	v4 =	vadd.s32 v1, v4;
	_ =	sdelay $0x3  }
0xc6: {  	v3 =	vperm.xlane v3, v2  }
0xc7: {  	[tilespmem:s12], [sflag:$0x2] =	stream.indirect_vreg.gather [hbm4b:s1+s3], $0x80, v4, vm0, $0xb8;
	[tilespmem:$0x1E100] =	vst v63  }
0xc8: {  	v3 =	vadd.s32 v1, v3  }
0xc9: {  	[tilespmem:s13], [sflag:$0x2] =	stream.indirect_vreg.gather [hbm4b:s4+s3], $0x80, v4, vm0, $0xb8;
	[tilespmem:$0x1E100] =	vst v63  }
0xca: {  	_ = 	snop  }
0xcb: {  	[tilespmem:s14], [sflag:$0x2] =	stream.indirect_vreg.gather [hbm4b:s5+s3], $0x80, v4, vm0, $0xb8;
	[tilespmem:$0x1E100] =	vst v63  }
0xcc: {  	_ = 	snop  }
0xcd: {  	[tilespmem:s15], [sflag:$0x2] =	stream.indirect_vreg.gather [hbm4b:s1+s3], $0x80, v3, vm0, $0xb8;
	[tilespmem:$0x1E100] =	vst v63  }
0xce: {  	_ = 	snop  }
0xcf: {  	[tilespmem:s16], [sflag:$0x2] =	stream.indirect_vreg.gather [hbm4b:s4+s3], $0x80, v3, vm0, $0xb8;
	[tilespmem:$0x1E100] =	vst v63  }
0xd0: {  	_ = 	snop  }
0xd1: {  	[tilespmem:s17], [sflag:$0x2] =	stream.indirect_vreg.gather [hbm4b:s5+s3], $0x80, v3, vm0, $0xb8;
	[tilespmem:$0x1E100] =	vst v63  }
0xd2: {  	v3 =	vld [tilespmem:$0x80];
	_ =	sdelay $0x4  }
0xd3: {  	v62 =	vshrl.u32 v3, $0x3  }
0xd4: {  	v4 =	vmul.u32 $0x30, v62  }
0xd5: {  	v3 =	vand.u32 $0x7, v3  }
0xd6: {  	v3 =	vor.u32 v3, v4  }
0xd7: {  	v4 =	vperm.xlane v3, v0;
	_ =	sdelay $0x1  }
0xd8: {  	v4 =	vadd.s32 v1, v4;
	_ =	sdelay $0x3  }
0xd9: {  	v3 =	vperm.xlane v3, v2  }
0xda: {  	[tilespmem:s18], [sflag:$0x2] =	stream.indirect_vreg.gather [hbm4b:s1+s3], $0x80, v4, vm0, $0xb8;
	[tilespmem:$0x1E100] =	vst v63  }
0xdb: {  	v3 =	vadd.s32 v1, v3  }
0xdc: {  	[tilespmem:s19], [sflag:$0x2] =	stream.indirect_vreg.gather [hbm4b:s4+s3], $0x80, v4, vm0, $0xb8;
	[tilespmem:$0x1E100] =	vst v63  }
0xdd: {  	_ = 	snop  }
0xde: {  	[tilespmem:s20], [sflag:$0x2] =	stream.indirect_vreg.gather [hbm4b:s5+s3], $0x80, v4, vm0, $0xb8;
	[tilespmem:$0x1E100] =	vst v63  }
0xdf: {  	_ = 	snop  }
0xe0: {  	[tilespmem:s21], [sflag:$0x2] =	stream.indirect_vreg.gather [hbm4b:s1+s3], $0x80, v3, vm0, $0xb8;
	[tilespmem:$0x1E100] =	vst v63  }
0xe1: {  	_ = 	snop  }
0xe2: {  	[tilespmem:s22], [sflag:$0x2] =	stream.indirect_vreg.gather [hbm4b:s4+s3], $0x80, v3, vm0, $0xb8;
	[tilespmem:$0x1E100] =	vst v63  }
0xe3: {  	_ = 	snop  }
0xe4: {  	[tilespmem:s23], [sflag:$0x2] =	stream.indirect_vreg.gather [hbm4b:s5+s3], $0x80, v3, vm0, $0xb8;
	[tilespmem:$0x1E100] =	vst v63  }
0xe5: {  	v3 =	vld [tilespmem:$0x90];
	_ =	sdelay $0x4  }
0xe6: {  	v63 =	vshrl.u32 v3, $0x3  }
0xe7: {  	v4 =	vmul.u32 $0x30, v63  }
0xe8: {  	v3 =	vand.u32 $0x7, v3  }
0xe9: {  	v3 =	vor.u32 v3, v4  }
0xea: {  	v4 =	vperm.xlane v3, v0;
	_ =	sdelay $0x1  }
0xeb: {  	v4 =	vadd.s32 v1, v4;
	_ =	sdelay $0x3  }
0xec: {  	v3 =	vperm.xlane v3, v2  }
0xed: {  	[tilespmem:s24], [sflag:$0x2] =	stream.indirect_vreg.gather [hbm4b:s1+s3], $0x80, v4, vm0, $0xb8;
	[tilespmem:$0x1E100] =	vst v63  }
0xee: {  	v3 =	vadd.s32 v1, v3  }
0xef: {  	[tilespmem:s25], [sflag:$0x2] =	stream.indirect_vreg.gather [hbm4b:s4+s3], $0x80, v4, vm0, $0xb8;
	[tilespmem:$0x1E100] =	vst v63  }
0xf0: {  	_ = 	snop  }
0xf1: {  	[tilespmem:s26], [sflag:$0x2] =	stream.indirect_vreg.gather [hbm4b:s5+s3], $0x80, v4, vm0, $0xb8;
	[tilespmem:$0x1E100] =	vst v63  }
0xf2: {  	_ = 	snop  }
0xf3: {  	[tilespmem:s28], [sflag:$0x2] =	stream.indirect_vreg.gather [hbm4b:s1+s3], $0x80, v3, vm0, $0xb8;
	[tilespmem:$0x1E100] =	vst v63  }
0xf4: {  	_ = 	snop  }
0xf5: {  	[tilespmem:s29], [sflag:$0x2] =	stream.indirect_vreg.gather [hbm4b:s4+s3], $0x80, v3, vm0, $0xb8;
	[tilespmem:$0x1E100] =	vst v63  }
0xf6: {  	_ = 	snop  }
0xf7: {  	[tilespmem:s30], [sflag:$0x2] =	stream.indirect_vreg.gather [hbm4b:s5+s3], $0x80, v3, vm0, $0xb8;
	[tilespmem:$0x1E100] =	vst v63  }
0xf8: {  	_ =	swait.ge [sflag:s31], $0xF000  }
0xf9: {  	[sflag:s31] =	ssyncset.done $0x0  }
0xfa: {  	[sflag:s31] =	ssyncadd.s32 $0xFFFF1000  }
0xfb: {  	_ =	swait.ge [sflag:s2], $0xF000  }
0xfc: {  	p0 =	sne.s32 s6, $0x1;
	[sflag:s2] =	ssyncset.done $0x0  }
.Ltmp0:
0xfd: {  	s9 =	rddreg [dreg:$0x5];
	[sflag:s2] =	ssyncadd.s32 $0xFFFF1000;
	(pc) =	sbr.rel @p0 .LBB2_1-.Ltmp0, $4  }
0xfe: {  	[hbm4b:s9+s3] =	stream.linear.scatter [tilespmem:s8], [sflag:$0x3], $0x1E000, $0x38;
	[tilespmem:$0x1E100] =	vst v63  }
0xff: {  	_ =	swait.ge [sflag:s7], $0x1E000  }
0x100: {  	[sflag:s7] =	ssyncset.done $0x0  }
0x101: {  	s6 =	sadd.s32 $0xFFFFFFFF, s6;
	[sflag:s7] =	ssyncadd.s32 $0xFFFE2000  }
0x102: {  	_ =	sfence.sel $0x180000  }
0x103: {  	[bflag:$0x0] =	sbarrier.arrive $0xFFFF  }
0x104: {  	_ =	strace $0x90000053  }
0x105: {  	s0 =	stileid.u32;
	[bflag:$0x2] =	sbarrier.arrive $0xFFFF  }
0x106: {  	p0 =	sne.s32 s0, $0x0;
	s0 =	rddreg [dreg:$0x3]  }
0x107: {  	s0 =	sadd.s32 @!p0 $0x100000, s0  }
0x108: {  	[sflag:s0] =	ssyncadd.tile.s32 @!p0 $0x1;
	_ =	shalt  }
.Lfunc_end2:
_tile_overlayer_lowered:
.L_overlay_start_2:
0x109: {  	(tag) =	ssettag $0x2  }
0x10a: {  	s0 =	rddreg [dreg:$0x0];
	s2 =	stileid.u32  }
0x10b: {  	s1 =	rddreg [dreg:$0x1];
	p0 =	sne.s32 s2, $0x0  }
0x10c: {  	s3 =	rddreg [dreg:$0x2];
	[bflag:$0x3] =	sbarrier.arrive $0xFFFF;
	s2 =	simm.s32 @!p0 $0x1C03  }
0x10d: {  	[timem:s3], [sflag:s2] =	dma.local @!p0 [hbm:s0], s1  }
0x10e: {  	s0 =	simm.s32 @!p0 $0x3  }
0x10f: {  	_ =	swait.ge @!p0 [sflag:s0], s1  }
0x110: {  	s1 =	ssub.s32 @!p0 $0x0, s1;
	[sflag:s0] =	ssyncset.done @!p0 $0x0  }
0x111: {  	[sflag:s0] =	ssyncadd.s32 @!p0 s1  }
0x112: {  	[bflag:$0x3] =	sbarrier.arrive $0xFFFF  }
0x113: {  	_ =	shalt  }

// kernel: sparse-core-data-format-call.cloned.1.call-start
scs
called_computation_lowered:
.L_overlay_start_0:
0x0: {  	s2 =	sld [smem:$0x3FD9]  }
0x1: {  	s3 =	sld [smem:$0x3FFE];
	_ =	sdelay $0x1  }
0x2: {  	s1 =	srdreg.scid  }
0x3: {  	s0 =	sand.u32 $0x1, s1  }
0x4: {  	s18 =	sshll.u32 s0, $0xA;
	s2 =	sadd.s32 s3, s2  }
0x5: {  	s2 =	sadd.s32 s2, s18  }
0x6: {  	[smem:$0x3FC1] =	sst s2  }
0x7: {  	_ = 	snop  }
0x8: {  	(tm) =	ssettm $0x1  }
0x9: {  	s19 =	sld [smem:$0x3FFB];
	_ =	sdelay $0x3  }
0xa: {  	_ =	strace s19  }
0xb: {  	s2 =	sld [smem:$0x3FFC];
	_ =	sdelay $0x3  }
0xc: {  	_ =	strace s2  }
0xd: {  	s2 =	sld [smem:$0x3FFD];
	_ =	sdelay $0x3  }
0xe: {  	_ =	strace s2  }
0xf: {  	_ =	strace $0x8FFFFFFF  }
0x10: {  	s20 =	sld [smem:$0x3FDB];
	_ =	sdelay $0x1  }
0x11: {  	s21 =	simm.s32 $_scs_section_size  }
0x12: {  	s4 =	simm.s32 $_size__tile_overlayer_lowered;
	s5 =	simm.s32 $_tile_overlayer_lowered  }
0x13: {  	s6 =	simm.s32 $0x1BFF;
	s22 =	sshll.u32 s5, $0x1;
	s3 =	sadd.s32 s21, s20  }
0x14: {  	s23 =	simm.s32 $0x0;
	s4 =	sshll.u32 s4, $0x1;
	s5 =	sadd.s32 s22, s3  }
0x15: {  	[timem:s23], [sflag:s6] =	dma.local [hbm:s5], s4  }
0x16: {  	_ =	swait.ge [sflag:s6], s4  }
0x17: {  	s4 =	ssub.s32 $0x0, s4;
	[sflag:s6] =	ssyncset.done $0x0  }
0x18: {  	[sflag:s6] =	ssyncadd.s32 s4;
	_ =	sdelay $0x1  }
0x19: {  	s24 =	simm.s32 $0x1B8B  }
0x1a: {  	_ =	swait.ge [sflag:s24], $0x1  }
0x1b: {  	[sflag:s24] =	ssyncset.done $0x0  }
0x1c: {  	[sflag:s24] =	ssyncadd.s32 $0xFFFFFFFF  }
0x1d: {  	s4 =	sld [smem:$0x0]  }
0x1e: {  	s5 =	sand.u32 $0xFFFFFFFE, s1  }
0x1f: {  	p0 =	sne.s32 s1, s5  }
0x20: {  	s5 =	sshll.u32 @p0 s5, $0xE  }
0x21: {  	s5 =	sadd.s32 @p0 $0x11B8D, s5;
	s6 =	sshll.u32 @p0 s4, $0x11  }
0x22: {  	s5 =	sor.u32 @p0 s6, s5  }
0x23: {  	[sflag:s5] =	ssyncadd.remote.s32 @p0 $0x1;
	_ =	sdelay $0x1  }
0x24: {  	s5 =	simm.s32 @p0 $0x1B8D  }
0x25: {  	_ =	swait.eq @p0 [sflag:s5], $0x1  }
0x26: {  	[sflag:s5] =	ssyncadd.s32 @p0 $0xFFFFFFFF  }
0x27: {  	s6 =	sshll.u32 @!p0 s1, $0xE  }
0x28: {  	s6 =	sor.u32 @!p0 $0x4000, s6;
	s5 =	simm.s32 @!p0 $0x1B8D  }
0x29: {  	s4 =	sshll.u32 @!p0 s4, $0x11;
	s6 =	sadd.s32 @!p0 $0x11B8D, s6;
	_ =	swait.eq @!p0 [sflag:s5], $0x1  }
0x2a: {  	s4 =	sor.u32 @!p0 s4, s6;
	[sflag:s5] =	ssyncadd.s32 @!p0 $0xFFFFFFFF  }
0x2b: {  	s26 =	simm.s32 $0x1B8E;
	s25 =	sld [smem:$0x3FFE];
	[sflag:s4] =	ssyncadd.remote.s32 @!p0 $0x1  }
0x2c: {  	s27 =	simm.s32 $execute0_lowered;
	[smem:$0x3FD2] =	sst s26  }
0x2d: {  	s5 =	sshll.u32 s27, $0x1;
	_ =	strace $0x8000004F;
	[dreg:$0x1] =	wrdreg $0xFFFFFFFF  }
0x2e: {  	s28 =	simm.s32 $_size_execute0_lowered;
	s3 =	sadd.s32 s3, s5;
	[dreg:$0x0] =	wrdreg $0x0  }
0x2f: {  	s5 =	sshll.u32 s28, $0x1;
	[dreg:$0x2] =	wrdreg s3  }
0x30: {  	[dreg:$0x3] =	wrdreg s5  }
0x31: {  	[dreg:$0x4] =	wrdreg $0xC0  }
0x32: {  	_ =	task [dreg:s23], $0x5FFFF  }
0x33: {  	[dreg:$0x1] =	wrdreg $0xFFFFFFFF  }
0x34: {  	[dreg:$0x0] =	wrdreg $0x60  }
0x35: {  	[dreg:$0x2] =	wrdreg s25  }
0x36: {  	[dreg:$0x3] =	wrdreg $0x9  }
0x37: {  	_ =	task.clear_ibuf [dreg:s23], $0x4FFFF;
	_ =	strace $0x9000004F  }
0x38: {  	s29 =	simm.s32 $0x9;
	_ =	strace $0x80000051  }
0x39: {  	_ =	swait.ge [sflag:s29], $0x1  }
0x3a: {  	[sflag:s29] =	ssyncadd.s32 $0xFFFFFFFF  }
0x3b: {  	_ =	strace $0x90000051  }
0x3c: {  	_ =	sfence  }
0x3d: {  	s30 =	sld [smem:$0x0];
	_ =	sdelay $0x2  }
0x3e: {  	s31 =	sshll.u32 s1, $0xD;
	s1 =	sshrl.u32 s1, $0x2  }
0x3f: {  	s4 =	sand.u32 $0x4000, s31;
	s1 =	sadd.s32 s1, s30  }
0x40: {  	s0 =	sor.u32 s4, s0;
	s1 =	sshll.u32 s1, $0x11  }
0x41: {  	s0 =	sor.u32 s1, s0  }
0x42: {  	s0 =	sadd.s32 $0x8F2B, s0  }
0x43: {  	[sflag:s0] =	ssyncadd.remote.s32 $0x1  }
0x44: {  	_ =	sfence.sel $0xFFFF  }
0x45: {  	[dreg:$0x0] =	wrdreg $0xFFFFFFFF;
	(pc) =	sbr.abs _section_cstart, $3  }
0x46: {  	[dreg:$0x1] =	wrdreg $0xFFFFFFFF  }
0x47: {  	_ =	task.clear_ibuf [dreg:s23], $0x2FFFF;
	_ =	strace $0x9FFFFFFF  }
0x48: {  	(tm) =	ssettm $0x7FFFFFFF  }
0x49: {  	_ =	shalt  }
tec
execute0_lowered:
.L_overlay_start_1:
0x0: {  	(tag) =	ssettag $0x1  }
0x1: {  	s0 =	stileid.u32  }
0x2: {  	s2 =	srdreg.scid;
	s8 =	rddreg [dreg:$0x0]  }
0x3: {  	s9 =	simm.s32 $0x2;
	s18 =	simm.s32 $0x0;
	s1 =	sshll.u32 s0, $0x7  }
0x4: {  	s10 =	simm.s32 $0x2000;
	s19 =	simm.s32 $0x0;
	s3 =	ssub.s32 $0x800, s1  }
0x5: {  	s17 =	simm.s32 $0x0;
	s2 =	sand.u32 $0x1, s2;
	s4 =	sand.u32 $0x780, s3  }
0x6: {  	s5 =	ssub.s32 $0x2, s2;
	p0 =	sne.s32 s4, $0x0;
	s4 =	simm.s32 $0x1  }
0x7: {  	s3 =	sshrl.u32 s3, $0xB;
	s6 =	sshrl.u32 s5, $0x1;
	s4 =	simm.s32 @!p0 $0x0  }
0x8: {  	s16 =	simm.s32 $0x0;
	s5 =	ssub.s32 s5, s6;
	s4 =	sadd.s32 s4, s3  }
0x9: {  	s11 =	simm.s32 $0x0;
	s12 =	simm.s32 $0x0;
	s6 =	smul.u32 s4, s5  }
.Ltmp0:
0xa: {  	s15 =	simm.s32 $0x0;
	s7 =	sadd.s32 $0x180E00, s8;
	(pc) =	sbr.rel .LBB1_1-.Ltmp0, $4  }
0xb: {  	s13 =	smov.u32 s2;
	s14 =	smov.u32 s1;
	s3 =	rddreg [dreg:$0x1]  }
0xc: {  	_ =	strace $0x80000050;
	s5 =	simm.s32 $0x1;
	s6 =	smul.u32 $0x18, s6  }
0xd: {  	p0 =	por $0x0, $0x0;
	s4 =	sadd.s32 $0x800, s8;
	[sflag:s5] =	ssyncpa.u1 $0x0  }
0xe: {  	s8 =	sadd.s32 $0x1B0E00, s8;
	[sflag:s9] =	ssyncpa.u1 $0x0;
	s9 =	sor.u32 $0x1, s6  }
.LBB1_4:
0xf: {  	v11 =	vld [tilespmem:s24+$0xFFFFFFE0];
	v12 =	vcombine.low v6, v7  }
0x10: {  	v3 =	vperm.xlane.i2c.b16 v3;
	[tilespmem:s25+$0x3870 ss:$0x81] =	vst.msk $0xffff, v9;
	v46 =	vld [tilespmem:s24+$0xFFFFFFF0];
	v4 =	vperm.xlane.i2c.b16 v4  }
0x11: {  	v47 =	vcombine.high v6, v7;
	[tilespmem:s23+$0x2040 ss:$0x81] =	vst.msk $0xffff, v10;
	v48 =	vld [tilespmem:s24+$0x0];
	v5 =	vperm.xlane.i2c.b16 v5  }
0x12: {  	v50 =	vld [tilespmem:s24+$0x10];
	v2 =	vperm.xlane.i2c.b16 v2;
	[tilespmem:s25+$0x810 ss:$0x81] =	vst.msk $0xffff, v12;
	v49 =	vcombine.low v8, v3  }
0x13: {  	v52 =	vld [tilespmem:s24+$0xFFFFFFC0];
	v1 =	vperm.xlane.i2c.b16 v1;
	v51 =	vcombine.low v4, v0;
	[tilespmem:s25+$0x2850 ss:$0x81] =	vst.msk $0xffff, v47  }
0x14: {  	s29 =	sshra.s32 s26, $0x2;
	v3 =	vcombine.high v8, v3;
	v53 =	vcombine.low v2, v5;
	[tilespmem:s25+$0x1020 ss:$0x81] =	vst.msk $0xffff, v49  }
0x15: {  	s28 =	sshll.u32 s18, $0xB;
	s27 =	sshll.u32 s16, $0x3;
	s22 =	sadd.s32 s29, s22;
	v2 =	vcombine.high v2, v5;
	v56 =	vcombine.high v4, v0;
	[tilespmem:s25+$0x0 ss:$0x81] =	vst.msk $0xffff, v51  }
0x16: {  	s23 =	sand.u32 $0xFFFFC000, s28;
	s28 =	sand.u32 $0xFFFFFC00, s27;
	[tilespmem:s22+$0x1830 ss:$0x81] =	vst.msk $0xffff, v53;
	v11 =	vperm.xlane.i2c.b16 v11;
	v54 =	vperm.xlane.i2c.b16 v46  }
0x17: {  	s19 =	smul.u32 $0x30000, s19;
	s23 =	sadd.s32 s28, s23;
	[tilespmem:s25+$0x3060 ss:$0x81] =	vst.msk $0xffff, v3;
	v55 =	vperm.xlane.i2c.b16 v48;
	v58 =	vperm.xlane.i2c.b16 v50  }
0x18: {  	s31 =	sshll.u32 s18, $0x7;
	s17 =	smul.u32 $0x18000, s17;
	s23 =	sshrl.u32 s23, $0xB;
	[tilespmem:s22+$0x3870 ss:$0x81] =	vst.msk $0xffff, v2;
	v60 =	vperm.xlane.i2c.b16 v52;
	v57 =	vcombine.low v11, v54  }
0x19: {  	s26 =	sshll.u32 s16, $0x1;
	s27 =	sand.u32 $0x400, s27;
	s30 =	smulhi.u32 $0x555556, s23;
	[tilespmem:s25+$0x2040 ss:$0x81] =	vst.msk $0xffff, v56;
	v61 =	vcombine.low v55, v58  }
0x1a: {  	s18 =	sand.u32 $0x300, s31;
	s29 =	sand.u32 $0x7, s16;
	s25 =	sand.u32 $0xF0, s26;
	v63 =	vcombine.low v60, v1;
	[tilespmem:s22+$0x810 ss:$0x81] =	vst.msk $0xffff, v57  }
0x1b: {  	s28 =	sadd.s32 s17, s19;
	s24 =	smul.u32 $0x300, s30;
	s25 =	sor.u32 s27, s25;
	v59 =	vcombine.high v11, v54;
	[tilespmem:s22+$0x1020 ss:$0x81] =	vst.msk $0xffff, v61  }
0x1c: {  	s16 =	sshll.u32 s29, $0x12;
	s17 =	sadd.s32 s17, s8;
	v62 =	vcombine.high v55, v58;
	s18 =	sor.u32 s18, s25;
	[tilespmem:s22+$0x0 ss:$0x81] =	vst.msk $0xffff, v63  }
0x1d: {  	v0 =	vcombine.high v60, v1;
	s23 =	ssub.s32 s23, s24;
	s18 =	sshrl.u32 s18, $0x4;
	s24 =	sadd.s32 s7, s28;
	[tilespmem:s22+$0x2850 ss:$0x81] =	vst.msk $0xffff, v59  }
0x1e: {  	s17 =	sadd.s32 s19, s17;
	s23 =	sshll.u32 s23, $0x7;
	s24 =	sadd.s32 s18, s24;
	[tilespmem:s22+$0x3060 ss:$0x81] =	vst.msk $0xffff, v62  }
0x1f: {  	s16 =	sor.u32 $0x200, s16;
	s17 =	sadd.s32 s18, s17;
	[tilespmem:s22+$0x2040 ss:$0x81] =	vst.msk $0xffff, v0;
	s30 =	sadd.s32 s23, s24  }
0x20: {  	[hbm4b:s30+s16] =	stream.strided.scatter [tilespmem:s21], [sflag:$0x2], $0x2000, s10, s16, $0x20;
	[tilespmem:$0x10100] =	vst v63  }
0x21: {  	s31 =	sadd.s32 $0xA040, s20;
	s17 =	sadd.s32 s23, s17  }
0x22: {  	[hbm4b:s17+s16] =	stream.strided.scatter [tilespmem:s31], [sflag:$0x2], $0x2000, s10, s16, $0x20;
	[tilespmem:$0x10100] =	vst v63  }
.LBB1_5:
0x23: {  	s20 =	sadd.s32 $0x80, s11  }
0x24: {  	s16 =	sadd.s32 $0x2, s12;
	s21 =	smov.u32 s12;
	p2 =	sgt.s32 s20, $0x2FF  }
0x25: {  	s21 =	smov.u32 @p2 s16  }
0x26: {  	s22 =	smov.u32 s13;
	s16 =	sadd.s32 $0x2, s13;
	p3 =	sgt.s32 s21, $0x7  }
0x27: {  	s22 =	smov.u32 @p3 s16  }
0x28: {  	s23 =	smov.u32 s14;
	s16 =	sadd.s32 $0x800, s14;
	p4 =	sgt.s32 s22, $0x1  }
0x29: {  	p1 =	slt.u32 s15, $0x2;
	s23 =	smov.u32 @p4 s16  }
0x2a: {  	s18 =	smov.u32 s11;
	s20 =	simm.s32 @p2 $0x0;
	p2 =	sgt.s32 s23, $0x7FF  }
0x2b: {  	s24 =	simm.s32 @!p1 $0x2;
	s23 =	smov.u32 @p2 s1;
	p2 =	sne.s32 s15, s9  }
.Ltmp1:
0x2c: {  	s19 =	smov.u32 s12;
	_ =	swait.ge @!p1 [sflag:s24], $0x4000;
	(pc) =	sbr.rel @!p2 .LBB1_6-.Ltmp1, $4  }
0x2d: {  	s17 =	smov.u32 s13;
	p0 =	por !p0, !p0;
	[sflag:s24] =	ssyncset.done @!p1 $0x0  }
0x2e: {  	s11 =	smov.u32 s20;
	s21 =	simm.s32 @p3 $0x0;
	[sflag:s24] =	ssyncadd.s32 @!p1 $0xFFFFC000  }
0x2f: {  	s12 =	smov.u32 s21;
	s22 =	smov.u32 @p4 s2;
	s16 =	smov.u32 s14  }
0x30: {  	s13 =	smov.u32 s22;
	s15 =	sadd.s32 $0x1, s15;
	s14 =	smov.u32 s23  }
.LBB1_1:
0x31: {  	p1 =	sge.u32 s15, s6  }
0x32: {  	s20 =	sshrl.u32 @!p1 s12, $0x3  }
0x33: {  	s21 =	sand.u32 @!p1 $0x1, s12;
	s22 =	sshll.u32 @!p1 s11, $0x3;
	s20 =	smul.u32 @!p1 $0x1800, s20  }
0x34: {  	s23 =	sshll.u32 @!p1 s12, $0x7;
	s24 =	sshll.u32 @!p1 s11, $0x1;
	s22 =	sand.u32 @!p1 $0xFFFFFC00, s22  }
0x35: {  	s20 =	sadd.s32 @!p1 s20, s22;
	s22 =	sand.u32 @!p1 $0x300, s23;
	s23 =	sand.u32 @!p1 $0xFE, s24  }
0x36: {  	s20 =	sor.u32 @!p1 s22, s20;
	s21 =	sor.u32 @!p1 s21, s23  }
0x37: {  	s21 =	sor.u32 @!p1 s20, s21;
	s20 =	smulhi.u32 @!p1 $0xAAAAAAAB, s20  }
0x38: {  	s22 =	smulhi.u32 @!p1 $0xAAAAAAAB, s21  }
0x39: {  	s24 =	smul.u32 @!p1 $0x180, s13  }
0x3a: {  	s23 =	smul.u32 @!p1 $0x300, s14;
	s20 =	sshrl.u32 @!p1 s20, $0x9;
	s22 =	sshrl.u32 @!p1 s22, $0x9  }
0x3b: {  	s20 =	sand.u32 @!p1 $0x7, s20;
	s22 =	smul.u32 @!p1 $0x300, s22  }
0x3c: {  	s31 =	sadd.s32 $0xFFFFFFFF, s15;
	s23 =	sadd.s32 @!p1 s4, s23;
	s20 =	smul.u32 @!p1 $0x30, s20  }
0x3d: {  	s25 =	sxor.u32 @!p1 $0xFFFFFFFF, s15;
	s21 =	ssub.s32 @!p1 s21, s22;
	s22 =	sadd.s32 @!p1 s24, s23  }
0x3e: {  	s23 =	sshrl.u32 @!p1 s21, $0x4;
	s20 =	sadd.s32 @!p1 s20, s22;
	s21 =	sshll.u32 @!p1 s21, $0x11  }
0x3f: {  	s22 =	sshll.u32 @!p1 s25, $0xE;
	s20 =	sadd.s32 @!p1 s23, s20;
	s21 =	sand.u32 @!p1 $0x1C0000, s21  }
0x40: {  	s22 =	sand.u32 @!p1 $0x4000, s22;
	s23 =	simm.s32 @!p1 $0x1800;
	s21 =	sor.u32 @!p1 $0x80, s21  }
0x41: {  	[tilespmem:s22], [sflag:$0x1] =	stream.strided.gather @!p1 [hbm4b:s20+s21], $0x4000, s23, s21, $0x38;
	[tilespmem:$0x10100] =	vst v63  }
0x42: {  	p1 =	sge.u32 s31, s6  }
.Ltmp2:
0x43: {  	_ = 	snop;
	(pc) =	sbr.rel @p1 .LBB1_5-.Ltmp2, $1  }
0x44: {  	_ =	sdelay $0x3  }
0x45: {  	s20 =	simm.s32 $0x1  }
0x46: {  	_ =	swait.ge [sflag:s5], $0x4000;
	s20 =	simm.s32 @!p0 $0x0  }
0x47: {  	[sflag:s5] =	ssyncset.done $0x0;
	s21 =	sshll.u32 s20, $0xE  }
0x48: {  	[sflag:s5] =	ssyncadd.s32 $0xFFFFC000;
	s21 =	sor.u32 $0x40, s21  }
0x49: {  	v0 =	vld [tilespmem:s21+$0x20]  }
0x4a: {  	v1 =	vld [tilespmem:s21+$0x30]  }
0x4b: {  	v2 =	vld [tilespmem:s21+$0xFFFFFFD0]  }
0x4c: {  	v3 =	vld [tilespmem:s21+$0xFFFFFFE0]  }
0x4d: {  	v4 =	vld [tilespmem:s21+$0xFFFFFFF0]  }
0x4e: {  	v5 =	vld [tilespmem:s21+$0x0]  }
0x4f: {  	v6 =	vld [tilespmem:s21+$0x10];
	_ =	sdelay $0x1  }
0x50: {  	s20 =	smul.u32 $0x10200, s20;
	v1 =	vperm.xlane.i2c.b16 v1;
	v0 =	vperm.xlane.i2c.b16 v0  }
0x51: {  	v7 =	vld [tilespmem:s21+$0xFFFFFFC0];
	s21 =	sadd.s32 $0x80, s21;
	v10 =	vperm.xlane.i2c.b16 v2;
	v3 =	vperm.xlane.i2c.b16 v3  }
0x52: {  	s20 =	sshrl.u32 s20, $0x2;
	v9 =	vld [tilespmem:s21+$0x30];
	v4 =	vperm.xlane.i2c.b16 v4;
	v5 =	vperm.xlane.i2c.b16 v5  }
0x53: {  	s22 =	sor.u32 $0x8000, s20;
	v2 =	vld [tilespmem:s21+$0x20];
	v6 =	vperm.xlane.i2c.b16 v6;
	v8 =	vcombine.low v0, v1  }
0x54: {  	s23 =	sadd.s32 $0x0, s22;
	v0 =	vcombine.high v0, v1;
	v1 =	vld [tilespmem:s21+$0xFFFFFFD0];
	v11 =	vcombine.low v3, v4  }
0x55: {  	v12 =	vld [tilespmem:s21+$0xFFFFFFF0];
	[tilespmem:s23+$0x1830 ss:$0x81] =	vst.msk $0xffff, v8  }
0x56: {  	v13 =	vperm.xlane.i2c.b16 v7;
	v7 =	vcombine.low v5, v6;
	v8 =	vld [tilespmem:s21+$0xFFFFFFE0];
	[tilespmem:s23+$0x810 ss:$0x81] =	vst.msk $0xffff, v11  }
0x57: {  	v14 =	vld [tilespmem:s21+$0x0];
	v9 =	vperm.xlane.i2c.b16 v9;
	[tilespmem:s23+$0x3870 ss:$0x81] =	vst.msk $0xffff, v0;
	v0 =	vcombine.high v3, v4  }
0x58: {  	s31 =	sand.u32 $0x1, s15;
	v5 =	vcombine.high v5, v6;
	[tilespmem:s23+$0x1020 ss:$0x81] =	vst.msk $0xffff, v7;
	v3 =	vld [tilespmem:s21+$0x10];
	v11 =	vperm.xlane.i2c.b16 v2  }
0x59: {  	s20 =	smul.u32 $0x10200, s31;
	s24 =	sadd.s32 $0x80, s21;
	v4 =	vld [tilespmem:s21+$0xFFFFFFC0];
	[tilespmem:s23+$0x2850 ss:$0x81] =	vst.msk $0xffff, v0;
	v0 =	vperm.xlane.i2c.b16 v1;
	v1 =	vcombine.low v13, v10  }
0x5a: {  	v7 =	vperm.xlane.i2c.b16 v12;
	v2 =	vld [tilespmem:s24+$0x20];
	[tilespmem:s23+$0x3060 ss:$0x81] =	vst.msk $0xffff, v5;
	v15 =	vcombine.low v11, v9  }
0x5b: {  	s25 =	sadd.s32 $0x1, s22;
	s20 =	sshrl.u32 s20, $0x2;
	v5 =	vld [tilespmem:s24+$0x30];
	v9 =	vcombine.high v11, v9;
	v6 =	vperm.xlane.i2c.b16 v8;
	[tilespmem:s23+$0x0 ss:$0x81] =	vst.msk $0xffff, v1  }
0x5c: {  	s26 =	simm.s32 $0x8;
	s27 =	simm.s32 $0xC;
	s21 =	sor.u32 $0x8000, s20;
	v10 =	vcombine.high v13, v10;
	v1 =	vld [tilespmem:s24+$0xFFFFFFD0];
	v8 =	vperm.xlane.i2c.b16 v14;
	[tilespmem:s25+$0x1830 ss:$0x81] =	vst.msk $0xffff, v15  }
.LBB1_3:
0x5d: {  	p1 =	sne.s32 s27, $0x1FC;
	v11 =	vld [tilespmem:s24+$0xFFFFFFE0];
	v12 =	vcombine.low v6, v7;
	v3 =	vperm.xlane.i2c.b16 v3;
	[tilespmem:s25+$0x3870 ss:$0x81] =	vst.msk $0xffff, v9  }
0x5e: {  	v13 =	vperm.xlane.i2c.b16 v4;
	v4 =	vcombine.high v6, v7;
	v9 =	vld [tilespmem:s24+$0xFFFFFFF0];
	[tilespmem:s23+$0x2040 ss:$0x81] =	vst.msk $0xffff, v10;
	s23 =	smov.u32 s25  }
0x5f: {  	v10 =	vld [tilespmem:s24+$0x0];
	[tilespmem:s23+$0x810 ss:$0x81] =	vst.msk $0xffff, v12;
	v6 =	vcombine.low v8, v3;
	v7 =	vcombine.high v8, v3  }
.Ltmp3:
0x60: {  	v8 =	vperm.xlane.i2c.b16 v5;
	v12 =	vperm.xlane.i2c.b16 v2;
	v3 =	vld [tilespmem:s24+$0x10];
	[tilespmem:s23+$0x2850 ss:$0x81] =	vst.msk $0xffff, v4;
	(pc) =	sbr.rel @p1 .LBB1_3-.Ltmp3, $4  }
0x61: {  	v14 =	vperm.xlane.i2c.b16 v1;
	v1 =	vcombine.low v13, v0;
	v4 =	vld [tilespmem:s24+$0xFFFFFFC0];
	s24 =	sadd.s32 $0x80, s24;
	[tilespmem:s23+$0x1020 ss:$0x81] =	vst.msk $0xffff, v6  }
0x62: {  	s25 =	sshra.s32 s26, $0x2;
	s26 =	smov.u32 s27;
	v2 =	vld [tilespmem:s24+$0x20];
	v6 =	vperm.xlane.i2c.b16 v11;
	v11 =	vcombine.low v12, v8;
	[tilespmem:s23+$0x3060 ss:$0x81] =	vst.msk $0xffff, v7  }
0x63: {  	s25 =	sadd.s32 s25, s22;
	v5 =	vld [tilespmem:s24+$0x30];
	v7 =	vperm.xlane.i2c.b16 v9;
	v9 =	vcombine.high v12, v8;
	[tilespmem:s23+$0x0 ss:$0x81] =	vst.msk $0xffff, v1  }
0x64: {  	s27 =	sadd.s32 $0x4, s27;
	v1 =	vld [tilespmem:s24+$0xFFFFFFD0];
	v8 =	vperm.xlane.i2c.b16 v10;
	[tilespmem:s25+$0x1830 ss:$0x81] =	vst.msk $0xffff, v11;
	v10 =	vcombine.high v13, v0;
	v0 =	vmov v14  }
.Ltmp4:
0x65: {  	_ = 	snop;
	(pc) =	sbr.rel .LBB1_4-.Ltmp4, $1  }
0x66: {  	_ =	sdelay $0x3  }
.LBB1_6:
0x67: {  	_ =	sfence.sel $0x180000  }
0x68: {  	s1 =	simm.s32 $0x1;
	[bflag:$0x0] =	sbarrier.arrive $0xFFFF  }
0x69: {  	s31 =	simm.s32 $0x2;
	[sflag:s1] =	ssyncpa.u1 $0x1  }
0x6a: {  	[sflag:s31] =	ssyncpa.u1 $0x1  }
0x6b: {  	p0 =	sne.s32 s0, $0x0;
	_ =	strace $0x90000050  }
0x6c: {  	s0 =	sadd.s32 @!p0 $0x100000, s3;
	[bflag:$0x2] =	sbarrier.arrive $0xFFFF  }
0x6d: {  	[sflag:s0] =	ssyncadd.tile.s32 @!p0 $0x1;
	_ =	shalt  }
.Lfunc_end1:
_tile_overlayer_lowered:
.L_overlay_start_2:
0x6e: {  	(tag) =	ssettag $0x2  }
0x6f: {  	s0 =	rddreg [dreg:$0x0];
	s2 =	stileid.u32  }
0x70: {  	s1 =	rddreg [dreg:$0x1];
	p0 =	sne.s32 s2, $0x0  }
0x71: {  	s3 =	rddreg [dreg:$0x2];
	[bflag:$0x3] =	sbarrier.arrive $0xFFFF;
	s2 =	simm.s32 @!p0 $0x1C01  }
0x72: {  	[timem:s3], [sflag:s2] =	dma.local @!p0 [hbm:s0], s1  }
0x73: {  	s0 =	simm.s32 @!p0 $0x1  }
0x74: {  	_ =	swait.ge @!p0 [sflag:s0], s1  }
0x75: {  	s1 =	ssub.s32 @!p0 $0x0, s1;
	[sflag:s0] =	ssyncset.done @!p0 $0x0  }
0x76: {  	[sflag:s0] =	ssyncadd.s32 @!p0 s1  }
0x77: {  	[bflag:$0x3] =	sbarrier.arrive $0xFFFF  }
0x78: {  	_ =	shalt  }

</sc_bundles>
